<compile_context>
chip_gen: v7x
topology: tpu7x:2x2x1
jax: 0.10.2.dev20260603
libtpu: 0.0.44.dev20260713+nightly
codegen_flags: <defaults>
</compile_context>

<pallas_src>
import functools

import jax
import jax.numpy as jnp
from jax import lax
from jax.experimental import pallas as pl
from jax.experimental.pallas import tpu as pltpu
from jax.experimental.pallas import tpu_sc as plsc

N_NODES = 10000
N_EDGES = 320000
D_IN = 128

NC = 2
NS = 16
NW = NC * NS
E_PER_W = N_EDGES // NW
CH = 80
N_STEPS = E_PER_W // CH
N_PAIRS = (N_STEPS + 1) // 2


def _sc_gather_mul(z_hbm, edge_hbm, x_hbm, idx_s, idx_d,
                   rs0, rd0, rs1, rd1, p0, p1,
                   gs0, gd0, gs1, gd1, ss0, ss1):
    wid = lax.axis_index("s") * NC + lax.axis_index("c")
    base = wid * E_PER_W

    rows = ((rs0, rd0, p0, gs0, gd0, ss0), (rs1, rd1, p1, gs1, gd1, ss1))

    pltpu.sync_copy(edge_hbm.at[pl.ds(base, E_PER_W)], idx_s)
    pltpu.sync_copy(edge_hbm.at[pl.ds(N_EDGES + base, E_PER_W)], idx_d)

    def issue_gather(j, rs, rd, sg_s, sg_d):
        i_s = idx_s.at[pl.ds(j * CH, CH)]
        i_d = idx_d.at[pl.ds(j * CH, CH)]
        pltpu.async_copy(z_hbm.at[i_s], rs, sg_s)
        pltpu.async_copy(z_hbm.at[i_d], rd, sg_d)

    def wait_gather(j, rs, rd, sg_s, sg_d):
        i_s = idx_s.at[pl.ds(j * CH, CH)]
        i_d = idx_d.at[pl.ds(j * CH, CH)]
        pltpu.make_async_copy(z_hbm.at[i_s], rs, sg_s).wait()
        pltpu.make_async_copy(z_hbm.at[i_d], rd, sg_d).wait()

    def issue_scatter(j, p, sem):
        pltpu.async_copy(p, x_hbm.at[pl.ds(base + j * CH, CH)], sem)

    def wait_scatter(j, p, sem):
        pltpu.make_async_copy(p, x_hbm.at[pl.ds(base + j * CH, CH)], sem).wait()

    def mul(rs, rd, p):
        def mul_row(r, _):
            for k in range(D_IN // 16):
                sl = pl.ds(k * 16, 16)
                p[r, sl] = rs[r, sl] * rd[r, sl]
            return 0

        lax.fori_loop(0, CH, mul_row, 0, unroll=2)

    issue_gather(0, rs0, rd0, gs0, gd0)
    issue_gather(1, rs1, rd1, gs1, gd1)

    def pair(i, _):
        for b in range(2):
            rs, rd, p, sg_s, sg_d, ssem = rows[b]
            j = 2 * i + b

            def do_step():
                wait_gather(j, rs, rd, sg_s, sg_d)

                @pl.when(i > 0)
                def _():
                    wait_scatter(j - 2, p, ssem)

                mul(rs, rd, p)

                @pl.when(j + 2 < N_STEPS)
                def _():
                    issue_gather(j + 2, rs, rd, sg_s, sg_d)

                issue_scatter(j, p, ssem)

            if b == 0:
                do_step()
            else:
                pl.when(j < N_STEPS)(do_step)
        return 0

    lax.fori_loop(0, N_PAIRS, pair, 0)

    wait_scatter(N_STEPS - 1, p0, ss0)
    wait_scatter(N_STEPS - 2, p1, ss1)


def _gather_product(z, edge):
    mesh = plsc.VectorSubcoreMesh(core_axis_name="c", subcore_axis_name="s")
    f = functools.partial(
        pl.kernel,
        mesh=mesh,
        out_type=jax.ShapeDtypeStruct((N_EDGES, D_IN), jnp.float32),
        scratch_types=[
            pltpu.VMEM((E_PER_W,), jnp.int32),
            pltpu.VMEM((E_PER_W,), jnp.int32),
            pltpu.VMEM((CH, D_IN), jnp.float32),
            pltpu.VMEM((CH, D_IN), jnp.float32),
            pltpu.VMEM((CH, D_IN), jnp.float32),
            pltpu.VMEM((CH, D_IN), jnp.float32),
            pltpu.VMEM((CH, D_IN), jnp.float32),
            pltpu.VMEM((CH, D_IN), jnp.float32),
            pltpu.SemaphoreType.DMA,
            pltpu.SemaphoreType.DMA,
            pltpu.SemaphoreType.DMA,
            pltpu.SemaphoreType.DMA,
            pltpu.SemaphoreType.DMA,
            pltpu.SemaphoreType.DMA,
        ],
    )(_sc_gather_mul)
    return f(z, edge.reshape(-1))


BE = 16000


def _mlp_body(x_ref, w1_ref, b1_ref, w2_ref, b2_ref, o_ref):
    h = jnp.dot(x_ref[...], w1_ref[...], preferred_element_type=jnp.float32)
    h = jnp.maximum(h + b1_ref[...], 0.0)
    o = jnp.sum(h * w2_ref[...], axis=1, keepdims=True) + b2_ref[...]
    o_ref[...] = jax.nn.sigmoid(o)


def _mlp(x, W1, b1, W2, b2):
    grid = (N_EDGES // BE,)
    return pl.pallas_call(
        _mlp_body,
        grid=grid,
        in_specs=[
            pl.BlockSpec((BE, D_IN), lambda i: (i, 0)),
            pl.BlockSpec((D_IN, 64), lambda i: (0, 0)),
            pl.BlockSpec((1, 64), lambda i: (0, 0)),
            pl.BlockSpec((1, 64), lambda i: (0, 0)),
            pl.BlockSpec((1, 1), lambda i: (0, 0)),
        ],
        out_specs=pl.BlockSpec((BE, 1), lambda i: (i, 0)),
        out_shape=jax.ShapeDtypeStruct((N_EDGES, 1), jnp.float32),
    )(x, W1, b1.reshape(1, 64), W2.reshape(1, 64), b2.reshape(1, 1))


def kernel(z, edge, W1, b1, W2, b2):
    x = _gather_product(z, edge)
    return _mlp(x, W1, b1, W2, b2)

# --- scband reference (transcript-rebuilt; emitter-appended) ---
"""Pipeline reference for scband-ae-74526272520516 (READ-ONLY COPY).

The authoritative reference and input builder live on the scoring server;
editing this copy changes nothing except your own understanding.
"""

import jax, jax.numpy as jnp
import numpy as np

N_NODES = 10000
N_EDGES = 320000
D_IN = 128
D_HID = 64
D_OUT = 1

def setup_inputs(seed: int = 0) -> dict:
    key = jax.random.key(seed)
    k1, k2, k3, k4, k5, k6 = jax.random.split(key, 6)
    z = jax.random.normal(k1, (N_NODES, D_IN), dtype=jnp.float32)
    edge = jax.random.randint(k2, (2, N_EDGES), 0, N_NODES, dtype=jnp.int32)
    # MLP params sized per init_kwargs (in=128, hidden=64, out=1, num_layers=2)
    W1 = jax.random.normal(k3, (D_IN, D_HID), dtype=jnp.float32) * (1.0 / np.sqrt(D_IN))
    b1 = jnp.zeros((D_HID,), dtype=jnp.float32)
    W2 = jax.random.normal(k4, (D_HID, D_OUT), dtype=jnp.float32) * (1.0 / np.sqrt(D_HID))
    b2 = jnp.zeros((D_OUT,), dtype=jnp.float32)
    return {"z": z, "edge": edge, "W1": W1, "b1": b1, "W2": W2, "b2": b2}

def reference(z, edge, W1, b1, W2, b2):
    # x = z[edge[0]] * z[edge[1]]  (two gathers + elementwise product)
    src = jnp.take(z, edge[0], axis=0)
    dst = jnp.take(z, edge[1], axis=0)
    x = src * dst
    # MLP layer 0 (dropout is identity in eval mode)
    x = x @ W1 + b1
    x = jax.nn.relu(x)
    # final layer
    x = x @ W2 + b2
    # sigmoid=True default
    return jax.nn.sigmoid(x)

if __name__ == "__main__":
    import jax
    _d = setup_inputs()
    print(jax.jit(kernel)(*tuple(_d.values())))

</pallas_src>

<mosaic_0001>
#map = affine_map<(d0, d1) -> (0, 0)>
#map1 = affine_map<(d0, d1) -> (0)>
module attributes {stable_mosaic.version = 14 : i64} {
  func.func @_sc_gather_mul(%arg0: i32, %arg1: i32, %arg2: memref<10000x128xf32, #tpu.memory_space<hbm>>, %arg3: memref<640000xi32, #tpu.memory_space<hbm>>, %arg4: memref<320000x128xf32, #tpu.memory_space<hbm>>, %arg5: memref<10000xi32, #tpu.memory_space<vmem>>, %arg6: memref<10000xi32, #tpu.memory_space<vmem>>, %arg7: memref<80x128xf32, #tpu.memory_space<vmem>>, %arg8: memref<80x128xf32, #tpu.memory_space<vmem>>, %arg9: memref<80x128xf32, #tpu.memory_space<vmem>>, %arg10: memref<80x128xf32, #tpu.memory_space<vmem>>, %arg11: memref<80x128xf32, #tpu.memory_space<vmem>>, %arg12: memref<80x128xf32, #tpu.memory_space<vmem>>, %arg13: memref<!tpu.dma_semaphore, #tpu.memory_space<semaphore_mem>>, %arg14: memref<!tpu.dma_semaphore, #tpu.memory_space<semaphore_mem>>, %arg15: memref<!tpu.dma_semaphore, #tpu.memory_space<semaphore_mem>>, %arg16: memref<!tpu.dma_semaphore, #tpu.memory_space<semaphore_mem>>, %arg17: memref<!tpu.dma_semaphore, #tpu.memory_space<semaphore_mem>>, %arg18: memref<!tpu.dma_semaphore, #tpu.memory_space<semaphore_mem>>) attributes {dimension_semantics = [#tpu.dimension_semantics<core_parallel>, #tpu.dimension_semantics<subcore_parallel>], iteration_bounds = array<i64: 2, 16>, scalar_prefetch = 0 : i64, scratch_operands = 14 : i64, tpu.core_type = #tpu.core_type<sc_vector_subcore>, window_params = [{transform_indices = #map}, {transform_indices = #map1}, {transform_indices = #map}]} {
    %mul3A = arith.constant 2 : i32
    %mul3A_0 = arith.muli %arg1, %mul3A : i32
    %add3A = arith.addi %mul3A_0, %arg0 : i32
    %mul3A_1 = arith.constant 10000 : i32
    %mul3A_2 = arith.muli %add3A, %mul3A_1 : i32
    "tpu.region"() ({
      %run_scoped3A = tpu.sem_alloc : memref<!tpu.dma_semaphore, #tpu.memory_space<semaphore_mem>>
      %dma_start3A_41 = tpu.memref_slice %arg3[%mul3A_2] : memref<640000xi32, #tpu.memory_space<hbm>> -> memref<10000xi32, #tpu.memory_space<hbm>>
      %dma_start3A_42 = tpu.memref_slice %arg3[%mul3A_2] : memref<640000xi32, #tpu.memory_space<hbm>> -> memref<10000xi32, #tpu.memory_space<hbm>>
      tpu.enqueue_dma source(%dma_start3A_42 : memref<10000xi32, #tpu.memory_space<hbm>>) target(%arg5 : memref<10000xi32, #tpu.memory_space<vmem>>) target_semaphore(%run_scoped3A : memref<!tpu.dma_semaphore, #tpu.memory_space<semaphore_mem>>)
      %dma_wait3A_43 = tpu.memref_slice %arg3[%mul3A_2] : memref<640000xi32, #tpu.memory_space<hbm>> -> memref<10000xi32, #tpu.memory_space<hbm>>
      %dma_wait3A_44 = tpu.memref_slice %arg3[%mul3A_2] : memref<640000xi32, #tpu.memory_space<hbm>> -> memref<10000xi32, #tpu.memory_space<hbm>>
      tpu.wait_dma2 semaphore(%run_scoped3A : memref<!tpu.dma_semaphore, #tpu.memory_space<semaphore_mem>>) src(%dma_wait3A_44 : memref<10000xi32, #tpu.memory_space<hbm>>) dst(%arg5 : memref<10000xi32, #tpu.memory_space<vmem>>)
      tpu.yield
    }) : () -> ()
    %add3A_3 = arith.constant 320000 : i32
    %add3A_4 = arith.addi %add3A_3, %mul3A_2 : i32
    "tpu.region"() ({
      %run_scoped3A = tpu.sem_alloc : memref<!tpu.dma_semaphore, #tpu.memory_space<semaphore_mem>>
      %dma_start3A_41 = tpu.memref_slice %arg3[%add3A_4] : memref<640000xi32, #tpu.memory_space<hbm>> -> memref<10000xi32, #tpu.memory_space<hbm>>
      %dma_start3A_42 = tpu.memref_slice %arg3[%add3A_4] : memref<640000xi32, #tpu.memory_space<hbm>> -> memref<10000xi32, #tpu.memory_space<hbm>>
      tpu.enqueue_dma source(%dma_start3A_42 : memref<10000xi32, #tpu.memory_space<hbm>>) target(%arg6 : memref<10000xi32, #tpu.memory_space<vmem>>) target_semaphore(%run_scoped3A : memref<!tpu.dma_semaphore, #tpu.memory_space<semaphore_mem>>)
      %dma_wait3A_43 = tpu.memref_slice %arg3[%add3A_4] : memref<640000xi32, #tpu.memory_space<hbm>> -> memref<10000xi32, #tpu.memory_space<hbm>>
      %dma_wait3A_44 = tpu.memref_slice %arg3[%add3A_4] : memref<640000xi32, #tpu.memory_space<hbm>> -> memref<10000xi32, #tpu.memory_space<hbm>>
      tpu.wait_dma2 semaphore(%run_scoped3A : memref<!tpu.dma_semaphore, #tpu.memory_space<semaphore_mem>>) src(%dma_wait3A_44 : memref<10000xi32, #tpu.memory_space<hbm>>) dst(%arg6 : memref<10000xi32, #tpu.memory_space<vmem>>)
      tpu.yield
    }) : () -> ()
    %dma_start3A = arith.constant 0 : i32
    %dma_start3A_5 = tpu.memref_slice %arg5[%dma_start3A] : memref<10000xi32, #tpu.memory_space<vmem>> -> memref<80xi32, #tpu.memory_space<vmem>>
    %dma_start3A_6 = arith.constant 0 : i32
    %dma_start3A_7 = arith.constant 0 : i32
    %dma_start3A_8 = tpu.memref_slice %arg2[%dma_start3A_6, %dma_start3A_7] : memref<10000x128xf32, #tpu.memory_space<hbm>> -> memref<10000x128xf32, #tpu.memory_space<hbm>>
    tpu.enqueue_indirect_dma source(%dma_start3A_8 : memref<10000x128xf32, #tpu.memory_space<hbm>>) target(%arg7 : memref<80x128xf32, #tpu.memory_space<vmem>>) offsets(%dma_start3A_5 : memref<80xi32, #tpu.memory_space<vmem>>) semaphore(%arg13 : memref<!tpu.dma_semaphore, #tpu.memory_space<semaphore_mem>>)
    %dma_start3A_9 = arith.constant 0 : i32
    %dma_start3A_10 = tpu.memref_slice %arg6[%dma_start3A_9] : memref<10000xi32, #tpu.memory_space<vmem>> -> memref<80xi32, #tpu.memory_space<vmem>>
    %dma_start3A_11 = arith.constant 0 : i32
    %dma_start3A_12 = arith.constant 0 : i32
    %dma_start3A_13 = tpu.memref_slice %arg2[%dma_start3A_11, %dma_start3A_12] : memref<10000x128xf32, #tpu.memory_space<hbm>> -> memref<10000x128xf32, #tpu.memory_space<hbm>>
    tpu.enqueue_indirect_dma source(%dma_start3A_13 : memref<10000x128xf32, #tpu.memory_space<hbm>>) target(%arg8 : memref<80x128xf32, #tpu.memory_space<vmem>>) offsets(%dma_start3A_10 : memref<80xi32, #tpu.memory_space<vmem>>) semaphore(%arg14 : memref<!tpu.dma_semaphore, #tpu.memory_space<semaphore_mem>>)
    %dma_start3A_14 = arith.constant 80 : i32
    %dma_start3A_15 = tpu.memref_slice %arg5[%dma_start3A_14] : memref<10000xi32, #tpu.memory_space<vmem>> -> memref<80xi32, #tpu.memory_space<vmem>>
    %dma_start3A_16 = arith.constant 0 : i32
    %dma_start3A_17 = arith.constant 0 : i32
    %dma_start3A_18 = tpu.memref_slice %arg2[%dma_start3A_16, %dma_start3A_17] : memref<10000x128xf32, #tpu.memory_space<hbm>> -> memref<10000x128xf32, #tpu.memory_space<hbm>>
    tpu.enqueue_indirect_dma source(%dma_start3A_18 : memref<10000x128xf32, #tpu.memory_space<hbm>>) target(%arg9 : memref<80x128xf32, #tpu.memory_space<vmem>>) offsets(%dma_start3A_15 : memref<80xi32, #tpu.memory_space<vmem>>) semaphore(%arg15 : memref<!tpu.dma_semaphore, #tpu.memory_space<semaphore_mem>>)
    %dma_start3A_19 = arith.constant 80 : i32
    %dma_start3A_20 = tpu.memref_slice %arg6[%dma_start3A_19] : memref<10000xi32, #tpu.memory_space<vmem>> -> memref<80xi32, #tpu.memory_space<vmem>>
    %dma_start3A_21 = arith.constant 0 : i32
    %dma_start3A_22 = arith.constant 0 : i32
    %dma_start3A_23 = tpu.memref_slice %arg2[%dma_start3A_21, %dma_start3A_22] : memref<10000x128xf32, #tpu.memory_space<hbm>> -> memref<10000x128xf32, #tpu.memory_space<hbm>>
    tpu.enqueue_indirect_dma source(%dma_start3A_23 : memref<10000x128xf32, #tpu.memory_space<hbm>>) target(%arg10 : memref<80x128xf32, #tpu.memory_space<vmem>>) offsets(%dma_start3A_20 : memref<80xi32, #tpu.memory_space<vmem>>) semaphore(%arg16 : memref<!tpu.dma_semaphore, #tpu.memory_space<semaphore_mem>>)
    %scan3A = arith.constant 0 : i32
    %scan3A_24 = arith.constant 0 : i32
    %scan3A_25 = arith.constant 63 : i32
    %scan3A_26 = arith.addi %scan3A_24, %scan3A_25 : i32
    %scan3A_27 = arith.constant 1 : i32
    %scan3A_28 = scf.for %scan3A_41 = %scan3A_24 to %scan3A_26 step %scan3A_27 iter_args(%scan3A_42 = %scan3A) -> (i32)  : i32 {
      %mul3A_43 = arith.constant 2 : i32
      %mul3A_44 = arith.muli %mul3A_43, %scan3A_41 : i32
      %add3A_45 = arith.constant 0 : i32
      %add3A_46 = arith.addi %mul3A_44, %add3A_45 : i32
      %mul3A_47 = arith.constant 80 : i32
      %mul3A_48 = arith.muli %add3A_46, %mul3A_47 : i32
      %mul3A_49 = arith.constant 80 : i32
      %mul3A_50 = arith.muli %add3A_46, %mul3A_49 : i32
      %dma_wait3A_51 = tpu.memref_slice %arg5[%mul3A_48] : memref<10000xi32, #tpu.memory_space<vmem>> -> memref<80xi32, #tpu.memory_space<vmem>>
      %dma_wait3A_52 = arith.constant 0 : i32
      %dma_wait3A_53 = arith.constant 0 : i32
      %dma_wait3A_54 = tpu.memref_slice %arg2[%dma_wait3A_52, %dma_wait3A_53] : memref<10000x128xf32, #tpu.memory_space<hbm>> -> memref<10000x128xf32, #tpu.memory_space<hbm>>
      tpu.wait_indirect_dma semaphore(%arg13 : memref<!tpu.dma_semaphore, #tpu.memory_space<semaphore_mem>>) src(%dma_wait3A_54 : memref<10000x128xf32, #tpu.memory_space<hbm>>) dst(%arg7 : memref<80x128xf32, #tpu.memory_space<vmem>>)
      %dma_wait3A_55 = tpu.memref_slice %arg6[%mul3A_50] : memref<10000xi32, #tpu.memory_space<vmem>> -> memref<80xi32, #tpu.memory_space<vmem>>
      %dma_wait3A_56 = arith.constant 0 : i32
      %dma_wait3A_57 = arith.constant 0 : i32
      %dma_wait3A_58 = tpu.memref_slice %arg2[%dma_wait3A_56, %dma_wait3A_57] : memref<10000x128xf32, #tpu.memory_space<hbm>> -> memref<10000x128xf32, #tpu.memory_space<hbm>>
      tpu.wait_indirect_dma semaphore(%arg14 : memref<!tpu.dma_semaphore, #tpu.memory_space<semaphore_mem>>) src(%dma_wait3A_58 : memref<10000x128xf32, #tpu.memory_space<hbm>>) dst(%arg8 : memref<80x128xf32, #tpu.memory_space<vmem>>)
      %gt3A = arith.constant 0 : i32
      %gt3A_59 = arith.cmpi sgt, %scan3A_41, %gt3A : i32
      %convert_element_type3A = arith.extui %gt3A_59 : i1 to i32
      %cond3A = arith.constant 0 : i32
      %cond3A_60 = arith.cmpi ne, %convert_element_type3A, %cond3A : i32
      scf.if %cond3A_60 {
        %sub3A = arith.constant 2 : i32
        %sub3A_91 = arith.subi %add3A_46, %sub3A : i32
        %mul3A_92 = arith.constant 80 : i32
        %mul3A_93 = arith.muli %sub3A_91, %mul3A_92 : i32
        %add3A_94 = arith.addi %mul3A_2, %mul3A_93 : i32
        %dma_wait3A_95 = arith.constant 0 : i32
        %dma_wait3A_96 = tpu.memref_slice %arg4[%add3A_94, %dma_wait3A_95] : memref<320000x128xf32, #tpu.memory_space<hbm>> -> memref<80x128xf32, #tpu.memory_space<hbm>>
        %dma_wait3A_97 = arith.constant 0 : i32
        %dma_wait3A_98 = tpu.memref_slice %arg4[%add3A_94, %dma_wait3A_97] : memref<320000x128xf32, #tpu.memory_space<hbm>> -> memref<80x128xf32, #tpu.memory_space<hbm>>
        tpu.wait_dma2 semaphore(%arg17 : memref<!tpu.dma_semaphore, #tpu.memory_space<semaphore_mem>>) src(%arg11 : memref<80x128xf32, #tpu.memory_space<vmem>>) dst(%dma_wait3A_98 : memref<80x128xf32, #tpu.memory_space<hbm>>)
      } else {
      }
      %scan3A_61 = arith.constant 0 : i32
      %scan3A_62 = arith.constant 0 : i32
      %scan3A_63 = arith.constant 80 : i32
      %scan3A_64 = arith.addi %scan3A_62, %scan3A_63 : i32
      %scan3A_65 = arith.constant 2 : i32
      %scan3A_66 = scf.for %scan3A_91 = %scan3A_62 to %scan3A_64 step %scan3A_65 iter_args(%scan3A_92 = %scan3A_61) -> (i32)  : i32 {
        %get3A = arith.index_cast %scan3A_91 : i32 to index
        %get3A_93 = arith.constant 0 : index
        %get3A_94 = tpu.vector_load %arg7[%get3A, %get3A_93] {strides = array<i32>} : memref<80x128xf32, #tpu.memory_space<vmem>>, vector<1x16xf32>,
        %get3A_95 = vector.shape_cast %get3A_94 : vector<1x16xf32> to vector<16xf32>
        %get3A_96 = arith.index_cast %scan3A_91 : i32 to index
        %get3A_97 = arith.constant 0 : index
        %get3A_98 = tpu.vector_load %arg8[%get3A_96, %get3A_97] {strides = array<i32>} : memref<80x128xf32, #tpu.memory_space<vmem>>, vector<1x16xf32>,
        %get3A_99 = vector.shape_cast %get3A_98 : vector<1x16xf32> to vector<16xf32>
        %mul3A_100 = arith.mulf %get3A_95, %get3A_99 : vector<16xf32>
        %swap3A = arith.index_cast %scan3A_91 : i32 to index
        %swap3A_101 = arith.constant 0 : index
        %swap3A_102 = tpu.vector_load %arg11[%swap3A, %swap3A_101] {strides = array<i32>} : memref<80x128xf32, #tpu.memory_space<vmem>>, vector<1x16xf32>,
        %swap3A_103 = vector.shape_cast %swap3A_102 : vector<1x16xf32> to vector<16xf32>
        %swap3A_104 = vector.shape_cast %mul3A_100 : vector<16xf32> to vector<1x16xf32>
        tpu.vector_store %arg11[%swap3A, %swap3A_101], %swap3A_104 {strides = array<i32>} : memref<80x128xf32, #tpu.memory_space<vmem>>, vector<1x16xf32>,
        %get3A_105 = arith.index_cast %scan3A_91 : i32 to index
        %get3A_106 = arith.constant 16 : index
        %get3A_107 = tpu.vector_load %arg7[%get3A_105, %get3A_106] {strides = array<i32>} : memref<80x128xf32, #tpu.memory_space<vmem>>, vector<1x16xf32>,
        %get3A_108 = vector.shape_cast %get3A_107 : vector<1x16xf32> to vector<16xf32>
        %get3A_109 = arith.index_cast %scan3A_91 : i32 to index
        %get3A_110 = arith.constant 16 : index
        %get3A_111 = tpu.vector_load %arg8[%get3A_109, %get3A_110] {strides = array<i32>} : memref<80x128xf32, #tpu.memory_space<vmem>>, vector<1x16xf32>,
        %get3A_112 = vector.shape_cast %get3A_111 : vector<1x16xf32> to vector<16xf32>
        %mul3A_113 = arith.mulf %get3A_108, %get3A_112 : vector<16xf32>
        %swap3A_114 = arith.index_cast %scan3A_91 : i32 to index
        %swap3A_115 = arith.constant 16 : index
        %swap3A_116 = tpu.vector_load %arg11[%swap3A_114, %swap3A_115] {strides = array<i32>} : memref<80x128xf32, #tpu.memory_space<vmem>>, vector<1x16xf32>,
        %swap3A_117 = vector.shape_cast %swap3A_116 : vector<1x16xf32> to vector<16xf32>
        %swap3A_118 = vector.shape_cast %mul3A_113 : vector<16xf32> to vector<1x16xf32>
        tpu.vector_store %arg11[%swap3A_114, %swap3A_115], %swap3A_118 {strides = array<i32>} : memref<80x128xf32, #tpu.memory_space<vmem>>, vector<1x16xf32>,
        %get3A_119 = arith.index_cast %scan3A_91 : i32 to index
        %get3A_120 = arith.constant 32 : index
        %get3A_121 = tpu.vector_load %arg7[%get3A_119, %get3A_120] {strides = array<i32>} : memref<80x128xf32, #tpu.memory_space<vmem>>, vector<1x16xf32>,
        %get3A_122 = vector.shape_cast %get3A_121 : vector<1x16xf32> to vector<16xf32>
        %get3A_123 = arith.index_cast %scan3A_91 : i32 to index
        %get3A_124 = arith.constant 32 : index
        %get3A_125 = tpu.vector_load %arg8[%get3A_123, %get3A_124] {strides = array<i32>} : memref<80x128xf32, #tpu.memory_space<vmem>>, vector<1x16xf32>,
        %get3A_126 = vector.shape_cast %get3A_125 : vector<1x16xf32> to vector<16xf32>
        %mul3A_127 = arith.mulf %get3A_122, %get3A_126 : vector<16xf32>
        %swap3A_128 = arith.index_cast %scan3A_91 : i32 to index
        %swap3A_129 = arith.constant 32 : index
        %swap3A_130 = tpu.vector_load %arg11[%swap3A_128, %swap3A_129] {strides = array<i32>} : memref<80x128xf32, #tpu.memory_space<vmem>>, vector<1x16xf32>,
        %swap3A_131 = vector.shape_cast %swap3A_130 : vector<1x16xf32> to vector<16xf32>
        %swap3A_132 = vector.shape_cast %mul3A_127 : vector<16xf32> to vector<1x16xf32>
        tpu.vector_store %arg11[%swap3A_128, %swap3A_129], %swap3A_132 {strides = array<i32>} : memref<80x128xf32, #tpu.memory_space<vmem>>, vector<1x16xf32>,
        %get3A_133 = arith.index_cast %scan3A_91 : i32 to index
        %get3A_134 = arith.constant 48 : index
        %get3A_135 = tpu.vector_load %arg7[%get3A_133, %get3A_134] {strides = array<i32>} : memref<80x128xf32, #tpu.memory_space<vmem>>, vector<1x16xf32>,
        %get3A_136 = vector.shape_cast %get3A_135 : vector<1x16xf32> to vector<16xf32>
        %get3A_137 = arith.index_cast %scan3A_91 : i32 to index
        %get3A_138 = arith.constant 48 : index
        %get3A_139 = tpu.vector_load %arg8[%get3A_137, %get3A_138] {strides = array<i32>} : memref<80x128xf32, #tpu.memory_space<vmem>>, vector<1x16xf32>,
        %get3A_140 = vector.shape_cast %get3A_139 : vector<1x16xf32> to vector<16xf32>
        %mul3A_141 = arith.mulf %get3A_136, %get3A_140 : vector<16xf32>
        %swap3A_142 = arith.index_cast %scan3A_91 : i32 to index
        %swap3A_143 = arith.constant 48 : index
        %swap3A_144 = tpu.vector_load %arg11[%swap3A_142, %swap3A_143] {strides = array<i32>} : memref<80x128xf32, #tpu.memory_space<vmem>>, vector<1x16xf32>,
        %swap3A_145 = vector.shape_cast %swap3A_144 : vector<1x16xf32> to vector<16xf32>
        %swap3A_146 = vector.shape_cast %mul3A_141 : vector<16xf32> to vector<1x16xf32>
        tpu.vector_store %arg11[%swap3A_142, %swap3A_143], %swap3A_146 {strides = array<i32>} : memref<80x128xf32, #tpu.memory_space<vmem>>, vector<1x16xf32>,
        %get3A_147 = arith.index_cast %scan3A_91 : i32 to index
        %get3A_148 = arith.constant 64 : index
        %get3A_149 = tpu.vector_load %arg7[%get3A_147, %get3A_148] {strides = array<i32>} : memref<80x128xf32, #tpu.memory_space<vmem>>, vector<1x16xf32>,
        %get3A_150 = vector.shape_cast %get3A_149 : vector<1x16xf32> to vector<16xf32>
        %get3A_151 = arith.index_cast %scan3A_91 : i32 to index
        %get3A_152 = arith.constant 64 : index
        %get3A_153 = tpu.vector_load %arg8[%get3A_151, %get3A_152] {strides = array<i32>} : memref<80x128xf32, #tpu.memory_space<vmem>>, vector<1x16xf32>,
        %get3A_154 = vector.shape_cast %get3A_153 : vector<1x16xf32> to vector<16xf32>
        %mul3A_155 = arith.mulf %get3A_150, %get3A_154 : vector<16xf32>
        %swap3A_156 = arith.index_cast %scan3A_91 : i32 to index
        %swap3A_157 = arith.constant 64 : index
        %swap3A_158 = tpu.vector_load %arg11[%swap3A_156, %swap3A_157] {strides = array<i32>} : memref<80x128xf32, #tpu.memory_space<vmem>>, vector<1x16xf32>,
        %swap3A_159 = vector.shape_cast %swap3A_158 : vector<1x16xf32> to vector<16xf32>
        %swap3A_160 = vector.shape_cast %mul3A_155 : vector<16xf32> to vector<1x16xf32>
        tpu.vector_store %arg11[%swap3A_156, %swap3A_157], %swap3A_160 {strides = array<i32>} : memref<80x128xf32, #tpu.memory_space<vmem>>, vector<1x16xf32>,
        %get3A_161 = arith.index_cast %scan3A_91 : i32 to index
        %get3A_162 = arith.constant 80 : index
        %get3A_163 = tpu.vector_load %arg7[%get3A_161, %get3A_162] {strides = array<i32>} : memref<80x128xf32, #tpu.memory_space<vmem>>, vector<1x16xf32>,
        %get3A_164 = vector.shape_cast %get3A_163 : vector<1x16xf32> to vector<16xf32>
        %get3A_165 = arith.index_cast %scan3A_91 : i32 to index
        %get3A_166 = arith.constant 80 : index
        %get3A_167 = tpu.vector_load %arg8[%get3A_165, %get3A_166] {strides = array<i32>} : memref<80x128xf32, #tpu.memory_space<vmem>>, vector<1x16xf32>,
        %get3A_168 = vector.shape_cast %get3A_167 : vector<1x16xf32> to vector<16xf32>
        %mul3A_169 = arith.mulf %get3A_164, %get3A_168 : vector<16xf32>
        %swap3A_170 = arith.index_cast %scan3A_91 : i32 to index
        %swap3A_171 = arith.constant 80 : index
        %swap3A_172 = tpu.vector_load %arg11[%swap3A_170, %swap3A_171] {strides = array<i32>} : memref<80x128xf32, #tpu.memory_space<vmem>>, vector<1x16xf32>,
        %swap3A_173 = vector.shape_cast %swap3A_172 : vector<1x16xf32> to vector<16xf32>
        %swap3A_174 = vector.shape_cast %mul3A_169 : vector<16xf32> to vector<1x16xf32>
        tpu.vector_store %arg11[%swap3A_170, %swap3A_171], %swap3A_174 {strides = array<i32>} : memref<80x128xf32, #tpu.memory_space<vmem>>, vector<1x16xf32>,
        %get3A_175 = arith.index_cast %scan3A_91 : i32 to index
        %get3A_176 = arith.constant 96 : index
        %get3A_177 = tpu.vector_load %arg7[%get3A_175, %get3A_176] {strides = array<i32>} : memref<80x128xf32, #tpu.memory_space<vmem>>, vector<1x16xf32>,
        %get3A_178 = vector.shape_cast %get3A_177 : vector<1x16xf32> to vector<16xf32>
        %get3A_179 = arith.index_cast %scan3A_91 : i32 to index
        %get3A_180 = arith.constant 96 : index
        %get3A_181 = tpu.vector_load %arg8[%get3A_179, %get3A_180] {strides = array<i32>} : memref<80x128xf32, #tpu.memory_space<vmem>>, vector<1x16xf32>,
        %get3A_182 = vector.shape_cast %get3A_181 : vector<1x16xf32> to vector<16xf32>
        %mul3A_183 = arith.mulf %get3A_178, %get3A_182 : vector<16xf32>
        %swap3A_184 = arith.index_cast %scan3A_91 : i32 to index
        %swap3A_185 = arith.constant 96 : index
        %swap3A_186 = tpu.vector_load %arg11[%swap3A_184, %swap3A_185] {strides = array<i32>} : memref<80x128xf32, #tpu.memory_space<vmem>>, vector<1x16xf32>,
        %swap3A_187 = vector.shape_cast %swap3A_186 : vector<1x16xf32> to vector<16xf32>
        %swap3A_188 = vector.shape_cast %mul3A_183 : vector<16xf32> to vector<1x16xf32>
        tpu.vector_store %arg11[%swap3A_184, %swap3A_185], %swap3A_188 {strides = array<i32>} : memref<80x128xf32, #tpu.memory_space<vmem>>, vector<1x16xf32>,
        %get3A_189 = arith.index_cast %scan3A_91 : i32 to index
        %get3A_190 = arith.constant 112 : index
        %get3A_191 = tpu.vector_load %arg7[%get3A_189, %get3A_190] {strides = array<i32>} : memref<80x128xf32, #tpu.memory_space<vmem>>, vector<1x16xf32>,
        %get3A_192 = vector.shape_cast %get3A_191 : vector<1x16xf32> to vector<16xf32>
        %get3A_193 = arith.index_cast %scan3A_91 : i32 to index
        %get3A_194 = arith.constant 112 : index
        %get3A_195 = tpu.vector_load %arg8[%get3A_193, %get3A_194] {strides = array<i32>} : memref<80x128xf32, #tpu.memory_space<vmem>>, vector<1x16xf32>,
        %get3A_196 = vector.shape_cast %get3A_195 : vector<1x16xf32> to vector<16xf32>
        %mul3A_197 = arith.mulf %get3A_192, %get3A_196 : vector<16xf32>
        %swap3A_198 = arith.index_cast %scan3A_91 : i32 to index
        %swap3A_199 = arith.constant 112 : index
        %swap3A_200 = tpu.vector_load %arg11[%swap3A_198, %swap3A_199] {strides = array<i32>} : memref<80x128xf32, #tpu.memory_space<vmem>>, vector<1x16xf32>,
        %swap3A_201 = vector.shape_cast %swap3A_200 : vector<1x16xf32> to vector<16xf32>
        %swap3A_202 = vector.shape_cast %mul3A_197 : vector<16xf32> to vector<1x16xf32>
        tpu.vector_store %arg11[%swap3A_198, %swap3A_199], %swap3A_202 {strides = array<i32>} : memref<80x128xf32, #tpu.memory_space<vmem>>, vector<1x16xf32>,
        %scan3A_203 = arith.constant 0 : i32
        %scan3A_204 = arith.constant 1 : i32
        %scan3A_205 = arith.addi %scan3A_91, %scan3A_204 : i32
        %get3A_206 = arith.index_cast %scan3A_205 : i32 to index
        %get3A_207 = arith.constant 0 : index
        %get3A_208 = tpu.vector_load %arg7[%get3A_206, %get3A_207] {strides = array<i32>} : memref<80x128xf32, #tpu.memory_space<vmem>>, vector<1x16xf32>,
        %get3A_209 = vector.shape_cast %get3A_208 : vector<1x16xf32> to vector<16xf32>
        %get3A_210 = arith.index_cast %scan3A_205 : i32 to index
        %get3A_211 = arith.constant 0 : index
        %get3A_212 = tpu.vector_load %arg8[%get3A_210, %get3A_211] {strides = array<i32>} : memref<80x128xf32, #tpu.memory_space<vmem>>, vector<1x16xf32>,
        %get3A_213 = vector.shape_cast %get3A_212 : vector<1x16xf32> to vector<16xf32>
        %mul3A_214 = arith.mulf %get3A_209, %get3A_213 : vector<16xf32>
        %swap3A_215 = arith.index_cast %scan3A_205 : i32 to index
        %swap3A_216 = arith.constant 0 : index
        %swap3A_217 = tpu.vector_load %arg11[%swap3A_215, %swap3A_216] {strides = array<i32>} : memref<80x128xf32, #tpu.memory_space<vmem>>, vector<1x16xf32>,
        %swap3A_218 = vector.shape_cast %swap3A_217 : vector<1x16xf32> to vector<16xf32>
        %swap3A_219 = vector.shape_cast %mul3A_214 : vector<16xf32> to vector<1x16xf32>
        tpu.vector_store %arg11[%swap3A_215, %swap3A_216], %swap3A_219 {strides = array<i32>} : memref<80x128xf32, #tpu.memory_space<vmem>>, vector<1x16xf32>,
        %get3A_220 = arith.index_cast %scan3A_205 : i32 to index
        %get3A_221 = arith.constant 16 : index
        %get3A_222 = tpu.vector_load %arg7[%get3A_220, %get3A_221] {strides = array<i32>} : memref<80x128xf32, #tpu.memory_space<vmem>>, vector<1x16xf32>,
        %get3A_223 = vector.shape_cast %get3A_222 : vector<1x16xf32> to vector<16xf32>
        %get3A_224 = arith.index_cast %scan3A_205 : i32 to index
        %get3A_225 = arith.constant 16 : index
        %get3A_226 = tpu.vector_load %arg8[%get3A_224, %get3A_225] {strides = array<i32>} : memref<80x128xf32, #tpu.memory_space<vmem>>, vector<1x16xf32>,
        %get3A_227 = vector.shape_cast %get3A_226 : vector<1x16xf32> to vector<16xf32>
        %mul3A_228 = arith.mulf %get3A_223, %get3A_227 : vector<16xf32>
        %swap3A_229 = arith.index_cast %scan3A_205 : i32 to index
        %swap3A_230 = arith.constant 16 : index
        %swap3A_231 = tpu.vector_load %arg11[%swap3A_229, %swap3A_230] {strides = array<i32>} : memref<80x128xf32, #tpu.memory_space<vmem>>, vector<1x16xf32>,
        %swap3A_232 = vector.shape_cast %swap3A_231 : vector<1x16xf32> to vector<16xf32>
        %swap3A_233 = vector.shape_cast %mul3A_228 : vector<16xf32> to vector<1x16xf32>
        tpu.vector_store %arg11[%swap3A_229, %swap3A_230], %swap3A_233 {strides = array<i32>} : memref<80x128xf32, #tpu.memory_space<vmem>>, vector<1x16xf32>,
        %get3A_234 = arith.index_cast %scan3A_205 : i32 to index
        %get3A_235 = arith.constant 32 : index
        %get3A_236 = tpu.vector_load %arg7[%get3A_234, %get3A_235] {strides = array<i32>} : memref<80x128xf32, #tpu.memory_space<vmem>>, vector<1x16xf32>,
        %get3A_237 = vector.shape_cast %get3A_236 : vector<1x16xf32> to vector<16xf32>
        %get3A_238 = arith.index_cast %scan3A_205 : i32 to index
        %get3A_239 = arith.constant 32 : index
        %get3A_240 = tpu.vector_load %arg8[%get3A_238, %get3A_239] {strides = array<i32>} : memref<80x128xf32, #tpu.memory_space<vmem>>, vector<1x16xf32>,
        %get3A_241 = vector.shape_cast %get3A_240 : vector<1x16xf32> to vector<16xf32>
        %mul3A_242 = arith.mulf %get3A_237, %get3A_241 : vector<16xf32>
        %swap3A_243 = arith.index_cast %scan3A_205 : i32 to index
        %swap3A_244 = arith.constant 32 : index
        %swap3A_245 = tpu.vector_load %arg11[%swap3A_243, %swap3A_244] {strides = array<i32>} : memref<80x128xf32, #tpu.memory_space<vmem>>, vector<1x16xf32>,
        %swap3A_246 = vector.shape_cast %swap3A_245 : vector<1x16xf32> to vector<16xf32>
        %swap3A_247 = vector.shape_cast %mul3A_242 : vector<16xf32> to vector<1x16xf32>
        tpu.vector_store %arg11[%swap3A_243, %swap3A_244], %swap3A_247 {strides = array<i32>} : memref<80x128xf32, #tpu.memory_space<vmem>>, vector<1x16xf32>,
        %get3A_248 = arith.index_cast %scan3A_205 : i32 to index
        %get3A_249 = arith.constant 48 : index
        %get3A_250 = tpu.vector_load %arg7[%get3A_248, %get3A_249] {strides = array<i32>} : memref<80x128xf32, #tpu.memory_space<vmem>>, vector<1x16xf32>,
        %get3A_251 = vector.shape_cast %get3A_250 : vector<1x16xf32> to vector<16xf32>
        %get3A_252 = arith.index_cast %scan3A_205 : i32 to index
        %get3A_253 = arith.constant 48 : index
        %get3A_254 = tpu.vector_load %arg8[%get3A_252, %get3A_253] {strides = array<i32>} : memref<80x128xf32, #tpu.memory_space<vmem>>, vector<1x16xf32>,
        %get3A_255 = vector.shape_cast %get3A_254 : vector<1x16xf32> to vector<16xf32>
        %mul3A_256 = arith.mulf %get3A_251, %get3A_255 : vector<16xf32>
        %swap3A_257 = arith.index_cast %scan3A_205 : i32 to index
        %swap3A_258 = arith.constant 48 : index
        %swap3A_259 = tpu.vector_load %arg11[%swap3A_257, %swap3A_258] {strides = array<i32>} : memref<80x128xf32, #tpu.memory_space<vmem>>, vector<1x16xf32>,
        %swap3A_260 = vector.shape_cast %swap3A_259 : vector<1x16xf32> to vector<16xf32>
        %swap3A_261 = vector.shape_cast %mul3A_256 : vector<16xf32> to vector<1x16xf32>
        tpu.vector_store %arg11[%swap3A_257, %swap3A_258], %swap3A_261 {strides = array<i32>} : memref<80x128xf32, #tpu.memory_space<vmem>>, vector<1x16xf32>,
        %get3A_262 = arith.index_cast %scan3A_205 : i32 to index
        %get3A_263 = arith.constant 64 : index
        %get3A_264 = tpu.vector_load %arg7[%get3A_262, %get3A_263] {strides = array<i32>} : memref<80x128xf32, #tpu.memory_space<vmem>>, vector<1x16xf32>,
        %get3A_265 = vector.shape_cast %get3A_264 : vector<1x16xf32> to vector<16xf32>
        %get3A_266 = arith.index_cast %scan3A_205 : i32 to index
        %get3A_267 = arith.constant 64 : index
        %get3A_268 = tpu.vector_load %arg8[%get3A_266, %get3A_267] {strides = array<i32>} : memref<80x128xf32, #tpu.memory_space<vmem>>, vector<1x16xf32>,
        %get3A_269 = vector.shape_cast %get3A_268 : vector<1x16xf32> to vector<16xf32>
        %mul3A_270 = arith.mulf %get3A_265, %get3A_269 : vector<16xf32>
        %swap3A_271 = arith.index_cast %scan3A_205 : i32 to index
        %swap3A_272 = arith.constant 64 : index
        %swap3A_273 = tpu.vector_load %arg11[%swap3A_271, %swap3A_272] {strides = array<i32>} : memref<80x128xf32, #tpu.memory_space<vmem>>, vector<1x16xf32>,
        %swap3A_274 = vector.shape_cast %swap3A_273 : vector<1x16xf32> to vector<16xf32>
        %swap3A_275 = vector.shape_cast %mul3A_270 : vector<16xf32> to vector<1x16xf32>
        tpu.vector_store %arg11[%swap3A_271, %swap3A_272], %swap3A_275 {strides = array<i32>} : memref<80x128xf32, #tpu.memory_space<vmem>>, vector<1x16xf32>,
        %get3A_276 = arith.index_cast %scan3A_205 : i32 to index
        %get3A_277 = arith.constant 80 : index
        %get3A_278 = tpu.vector_load %arg7[%get3A_276, %get3A_277] {strides = array<i32>} : memref<80x128xf32, #tpu.memory_space<vmem>>, vector<1x16xf32>,
        %get3A_279 = vector.shape_cast %get3A_278 : vector<1x16xf32> to vector<16xf32>
        %get3A_280 = arith.index_cast %scan3A_205 : i32 to index
        %get3A_281 = arith.constant 80 : index
        %get3A_282 = tpu.vector_load %arg8[%get3A_280, %get3A_281] {strides = array<i32>} : memref<80x128xf32, #tpu.memory_space<vmem>>, vector<1x16xf32>,
        %get3A_283 = vector.shape_cast %get3A_282 : vector<1x16xf32> to vector<16xf32>
        %mul3A_284 = arith.mulf %get3A_279, %get3A_283 : vector<16xf32>
        %swap3A_285 = arith.index_cast %scan3A_205 : i32 to index
        %swap3A_286 = arith.constant 80 : index
        %swap3A_287 = tpu.vector_load %arg11[%swap3A_285, %swap3A_286] {strides = array<i32>} : memref<80x128xf32, #tpu.memory_space<vmem>>, vector<1x16xf32>,
        %swap3A_288 = vector.shape_cast %swap3A_287 : vector<1x16xf32> to vector<16xf32>
        %swap3A_289 = vector.shape_cast %mul3A_284 : vector<16xf32> to vector<1x16xf32>
        tpu.vector_store %arg11[%swap3A_285, %swap3A_286], %swap3A_289 {strides = array<i32>} : memref<80x128xf32, #tpu.memory_space<vmem>>, vector<1x16xf32>,
        %get3A_290 = arith.index_cast %scan3A_205 : i32 to index
        %get3A_291 = arith.constant 96 : index
        %get3A_292 = tpu.vector_load %arg7[%get3A_290, %get3A_291] {strides = array<i32>} : memref<80x128xf32, #tpu.memory_space<vmem>>, vector<1x16xf32>,
        %get3A_293 = vector.shape_cast %get3A_292 : vector<1x16xf32> to vector<16xf32>
        %get3A_294 = arith.index_cast %scan3A_205 : i32 to index
        %get3A_295 = arith.constant 96 : index
        %get3A_296 = tpu.vector_load %arg8[%get3A_294, %get3A_295] {strides = array<i32>} : memref<80x128xf32, #tpu.memory_space<vmem>>, vector<1x16xf32>,
        %get3A_297 = vector.shape_cast %get3A_296 : vector<1x16xf32> to vector<16xf32>
        %mul3A_298 = arith.mulf %get3A_293, %get3A_297 : vector<16xf32>
        %swap3A_299 = arith.index_cast %scan3A_205 : i32 to index
        %swap3A_300 = arith.constant 96 : index
        %swap3A_301 = tpu.vector_load %arg11[%swap3A_299, %swap3A_300] {strides = array<i32>} : memref<80x128xf32, #tpu.memory_space<vmem>>, vector<1x16xf32>,
        %swap3A_302 = vector.shape_cast %swap3A_301 : vector<1x16xf32> to vector<16xf32>
        %swap3A_303 = vector.shape_cast %mul3A_298 : vector<16xf32> to vector<1x16xf32>
        tpu.vector_store %arg11[%swap3A_299, %swap3A_300], %swap3A_303 {strides = array<i32>} : memref<80x128xf32, #tpu.memory_space<vmem>>, vector<1x16xf32>,
        %get3A_304 = arith.index_cast %scan3A_205 : i32 to index
        %get3A_305 = arith.constant 112 : index
        %get3A_306 = tpu.vector_load %arg7[%get3A_304, %get3A_305] {strides = array<i32>} : memref<80x128xf32, #tpu.memory_space<vmem>>, vector<1x16xf32>,
        %get3A_307 = vector.shape_cast %get3A_306 : vector<1x16xf32> to vector<16xf32>
        %get3A_308 = arith.index_cast %scan3A_205 : i32 to index
        %get3A_309 = arith.constant 112 : index
        %get3A_310 = tpu.vector_load %arg8[%get3A_308, %get3A_309] {strides = array<i32>} : memref<80x128xf32, #tpu.memory_space<vmem>>, vector<1x16xf32>,
        %get3A_311 = vector.shape_cast %get3A_310 : vector<1x16xf32> to vector<16xf32>
        %mul3A_312 = arith.mulf %get3A_307, %get3A_311 : vector<16xf32>
        %swap3A_313 = arith.index_cast %scan3A_205 : i32 to index
        %swap3A_314 = arith.constant 112 : index
        %swap3A_315 = tpu.vector_load %arg11[%swap3A_313, %swap3A_314] {strides = array<i32>} : memref<80x128xf32, #tpu.memory_space<vmem>>, vector<1x16xf32>,
        %swap3A_316 = vector.shape_cast %swap3A_315 : vector<1x16xf32> to vector<16xf32>
        %swap3A_317 = vector.shape_cast %mul3A_312 : vector<16xf32> to vector<1x16xf32>
        tpu.vector_store %arg11[%swap3A_313, %swap3A_314], %swap3A_317 {strides = array<i32>} : memref<80x128xf32, #tpu.memory_space<vmem>>, vector<1x16xf32>,
        %scan3A_318 = arith.constant 0 : i32
        scf.yield %scan3A_318 : i32
      }
      %scan3A_67 = arith.constant 80 : i32
      %add3A_68 = arith.constant 2 : i32
      %add3A_69 = arith.addi %add3A_46, %add3A_68 : i32
      %lt3A = arith.constant 125 : i32
      %lt3A_70 = arith.cmpi slt, %add3A_69, %lt3A : i32
      %convert_element_type3A_71 = arith.extui %lt3A_70 : i1 to i32
      %cond3A_72 = arith.constant 0 : i32
      %cond3A_73 = arith.cmpi ne, %convert_element_type3A_71, %cond3A_72 : i32
      scf.if %cond3A_73 {
        %add3A_91 = arith.constant 2 : i32
        %add3A_92 = arith.addi %add3A_46, %add3A_91 : i32
        %mul3A_93 = arith.constant 80 : i32
        %mul3A_94 = arith.muli %add3A_92, %mul3A_93 : i32
        %mul3A_95 = arith.constant 80 : i32
        %mul3A_96 = arith.muli %add3A_92, %mul3A_95 : i32
        %dma_start3A_97 = tpu.memref_slice %arg5[%mul3A_94] : memref<10000xi32, #tpu.memory_space<vmem>> -> memref<80xi32, #tpu.memory_space<vmem>>
        %dma_start3A_98 = arith.constant 0 : i32
        %dma_start3A_99 = arith.constant 0 : i32
        %dma_start3A_100 = tpu.memref_slice %arg2[%dma_start3A_98, %dma_start3A_99] : memref<10000x128xf32, #tpu.memory_space<hbm>> -> memref<10000x128xf32, #tpu.memory_space<hbm>>
        tpu.enqueue_indirect_dma source(%dma_start3A_100 : memref<10000x128xf32, #tpu.memory_space<hbm>>) target(%arg7 : memref<80x128xf32, #tpu.memory_space<vmem>>) offsets(%dma_start3A_97 : memref<80xi32, #tpu.memory_space<vmem>>) semaphore(%arg13 : memref<!tpu.dma_semaphore, #tpu.memory_space<semaphore_mem>>)
        %dma_start3A_101 = tpu.memref_slice %arg6[%mul3A_96] : memref<10000xi32, #tpu.memory_space<vmem>> -> memref<80xi32, #tpu.memory_space<vmem>>
        %dma_start3A_102 = arith.constant 0 : i32
        %dma_start3A_103 = arith.constant 0 : i32
        %dma_start3A_104 = tpu.memref_slice %arg2[%dma_start3A_102, %dma_start3A_103] : memref<10000x128xf32, #tpu.memory_space<hbm>> -> memref<10000x128xf32, #tpu.memory_space<hbm>>
        tpu.enqueue_indirect_dma source(%dma_start3A_104 : memref<10000x128xf32, #tpu.memory_space<hbm>>) target(%arg8 : memref<80x128xf32, #tpu.memory_space<vmem>>) offsets(%dma_start3A_101 : memref<80xi32, #tpu.memory_space<vmem>>) semaphore(%arg14 : memref<!tpu.dma_semaphore, #tpu.memory_space<semaphore_mem>>)
      } else {
      }
      %mul3A_74 = arith.constant 80 : i32
      %mul3A_75 = arith.muli %add3A_46, %mul3A_74 : i32
      %add3A_76 = arith.addi %mul3A_2, %mul3A_75 : i32
      %dma_start3A_77 = arith.constant 0 : i32
      %dma_start3A_78 = tpu.memref_slice %arg4[%add3A_76, %dma_start3A_77] : memref<320000x128xf32, #tpu.memory_space<hbm>> -> memref<80x128xf32, #tpu.memory_space<hbm>>
      %dma_start3A_79 = arith.constant 0 : i32
      %dma_start3A_80 = tpu.memref_slice %arg4[%add3A_76, %dma_start3A_79] : memref<320000x128xf32, #tpu.memory_space<hbm>> -> memref<80x128xf32, #tpu.memory_space<hbm>>
      tpu.enqueue_dma source(%arg11 : memref<80x128xf32, #tpu.memory_space<vmem>>) target(%dma_start3A_80 : memref<80x128xf32, #tpu.memory_space<hbm>>) target_semaphore(%arg17 : memref<!tpu.dma_semaphore, #tpu.memory_space<semaphore_mem>>)
      %mul3A_81 = arith.constant 2 : i32
      %mul3A_82 = arith.muli %mul3A_81, %scan3A_41 : i32
      %add3A_83 = arith.constant 1 : i32
      %add3A_84 = arith.addi %mul3A_82, %add3A_83 : i32
      %lt3A_85 = arith.constant 125 : i32
      %lt3A_86 = arith.cmpi slt, %add3A_84, %lt3A_85 : i32
      %convert_element_type3A_87 = arith.extui %lt3A_86 : i1 to i32
      %cond3A_88 = arith.constant 0 : i32
      %cond3A_89 = arith.cmpi ne, %convert_element_type3A_87, %cond3A_88 : i32
      scf.if %cond3A_89 {
        %mul3A_91 = arith.constant 80 : i32
        %mul3A_92 = arith.muli %add3A_84, %mul3A_91 : i32
        %mul3A_93 = arith.constant 80 : i32
        %mul3A_94 = arith.muli %add3A_84, %mul3A_93 : i32
        %dma_wait3A_95 = tpu.memref_slice %arg5[%mul3A_92] : memref<10000xi32, #tpu.memory_space<vmem>> -> memref<80xi32, #tpu.memory_space<vmem>>
        %dma_wait3A_96 = arith.constant 0 : i32
        %dma_wait3A_97 = arith.constant 0 : i32
        %dma_wait3A_98 = tpu.memref_slice %arg2[%dma_wait3A_96, %dma_wait3A_97] : memref<10000x128xf32, #tpu.memory_space<hbm>> -> memref<10000x128xf32, #tpu.memory_space<hbm>>
        tpu.wait_indirect_dma semaphore(%arg15 : memref<!tpu.dma_semaphore, #tpu.memory_space<semaphore_mem>>) src(%dma_wait3A_98 : memref<10000x128xf32, #tpu.memory_space<hbm>>) dst(%arg9 : memref<80x128xf32, #tpu.memory_space<vmem>>)
        %dma_wait3A_99 = tpu.memref_slice %arg6[%mul3A_94] : memref<10000xi32, #tpu.memory_space<vmem>> -> memref<80xi32, #tpu.memory_space<vmem>>
        %dma_wait3A_100 = arith.constant 0 : i32
        %dma_wait3A_101 = arith.constant 0 : i32
        %dma_wait3A_102 = tpu.memref_slice %arg2[%dma_wait3A_100, %dma_wait3A_101] : memref<10000x128xf32, #tpu.memory_space<hbm>> -> memref<10000x128xf32, #tpu.memory_space<hbm>>
        tpu.wait_indirect_dma semaphore(%arg16 : memref<!tpu.dma_semaphore, #tpu.memory_space<semaphore_mem>>) src(%dma_wait3A_102 : memref<10000x128xf32, #tpu.memory_space<hbm>>) dst(%arg10 : memref<80x128xf32, #tpu.memory_space<vmem>>)
        %gt3A_103 = arith.constant 0 : i32
        %gt3A_104 = arith.cmpi sgt, %scan3A_41, %gt3A_103 : i32
        %convert_element_type3A_105 = arith.extui %gt3A_104 : i1 to i32
        %cond3A_106 = arith.constant 0 : i32
        %cond3A_107 = arith.cmpi ne, %convert_element_type3A_105, %cond3A_106 : i32
        scf.if %cond3A_107 {
          %sub3A = arith.constant 2 : i32
          %sub3A_129 = arith.subi %add3A_84, %sub3A : i32
          %mul3A_130 = arith.constant 80 : i32
          %mul3A_131 = arith.muli %sub3A_129, %mul3A_130 : i32
          %add3A_132 = arith.addi %mul3A_2, %mul3A_131 : i32
          %dma_wait3A_133 = arith.constant 0 : i32
          %dma_wait3A_134 = tpu.memref_slice %arg4[%add3A_132, %dma_wait3A_133] : memref<320000x128xf32, #tpu.memory_space<hbm>> -> memref<80x128xf32, #tpu.memory_space<hbm>>
          %dma_wait3A_135 = arith.constant 0 : i32
          %dma_wait3A_136 = tpu.memref_slice %arg4[%add3A_132, %dma_wait3A_135] : memref<320000x128xf32, #tpu.memory_space<hbm>> -> memref<80x128xf32, #tpu.memory_space<hbm>>
          tpu.wait_dma2 semaphore(%arg18 : memref<!tpu.dma_semaphore, #tpu.memory_space<semaphore_mem>>) src(%arg12 : memref<80x128xf32, #tpu.memory_space<vmem>>) dst(%dma_wait3A_136 : memref<80x128xf32, #tpu.memory_space<hbm>>)
        } else {
        }
        %scan3A_108 = arith.constant 0 : i32
        %scan3A_109 = arith.constant 0 : i32
        %scan3A_110 = arith.constant 80 : i32
        %scan3A_111 = arith.addi %scan3A_109, %scan3A_110 : i32
        %scan3A_112 = arith.constant 2 : i32
        %scan3A_113 = scf.for %scan3A_129 = %scan3A_109 to %scan3A_111 step %scan3A_112 iter_args(%scan3A_130 = %scan3A_108) -> (i32)  : i32 {
          %get3A = arith.index_cast %scan3A_129 : i32 to index
          %get3A_131 = arith.constant 0 : index
          %get3A_132 = tpu.vector_load %arg9[%get3A, %get3A_131] {strides = array<i32>} : memref<80x128xf32, #tpu.memory_space<vmem>>, vector<1x16xf32>,
          %get3A_133 = vector.shape_cast %get3A_132 : vector<1x16xf32> to vector<16xf32>
          %get3A_134 = arith.index_cast %scan3A_129 : i32 to index
          %get3A_135 = arith.constant 0 : index
          %get3A_136 = tpu.vector_load %arg10[%get3A_134, %get3A_135] {strides = array<i32>} : memref<80x128xf32, #tpu.memory_space<vmem>>, vector<1x16xf32>,
          %get3A_137 = vector.shape_cast %get3A_136 : vector<1x16xf32> to vector<16xf32>
          %mul3A_138 = arith.mulf %get3A_133, %get3A_137 : vector<16xf32>
          %swap3A = arith.index_cast %scan3A_129 : i32 to index
          %swap3A_139 = arith.constant 0 : index
          %swap3A_140 = tpu.vector_load %arg12[%swap3A, %swap3A_139] {strides = array<i32>} : memref<80x128xf32, #tpu.memory_space<vmem>>, vector<1x16xf32>,
          %swap3A_141 = vector.shape_cast %swap3A_140 : vector<1x16xf32> to vector<16xf32>
          %swap3A_142 = vector.shape_cast %mul3A_138 : vector<16xf32> to vector<1x16xf32>
          tpu.vector_store %arg12[%swap3A, %swap3A_139], %swap3A_142 {strides = array<i32>} : memref<80x128xf32, #tpu.memory_space<vmem>>, vector<1x16xf32>,
          %get3A_143 = arith.index_cast %scan3A_129 : i32 to index
          %get3A_144 = arith.constant 16 : index
          %get3A_145 = tpu.vector_load %arg9[%get3A_143, %get3A_144] {strides = array<i32>} : memref<80x128xf32, #tpu.memory_space<vmem>>, vector<1x16xf32>,
          %get3A_146 = vector.shape_cast %get3A_145 : vector<1x16xf32> to vector<16xf32>
          %get3A_147 = arith.index_cast %scan3A_129 : i32 to index
          %get3A_148 = arith.constant 16 : index
          %get3A_149 = tpu.vector_load %arg10[%get3A_147, %get3A_148] {strides = array<i32>} : memref<80x128xf32, #tpu.memory_space<vmem>>, vector<1x16xf32>,
          %get3A_150 = vector.shape_cast %get3A_149 : vector<1x16xf32> to vector<16xf32>
          %mul3A_151 = arith.mulf %get3A_146, %get3A_150 : vector<16xf32>
          %swap3A_152 = arith.index_cast %scan3A_129 : i32 to index
          %swap3A_153 = arith.constant 16 : index
          %swap3A_154 = tpu.vector_load %arg12[%swap3A_152, %swap3A_153] {strides = array<i32>} : memref<80x128xf32, #tpu.memory_space<vmem>>, vector<1x16xf32>,
          %swap3A_155 = vector.shape_cast %swap3A_154 : vector<1x16xf32> to vector<16xf32>
          %swap3A_156 = vector.shape_cast %mul3A_151 : vector<16xf32> to vector<1x16xf32>
          tpu.vector_store %arg12[%swap3A_152, %swap3A_153], %swap3A_156 {strides = array<i32>} : memref<80x128xf32, #tpu.memory_space<vmem>>, vector<1x16xf32>,
          %get3A_157 = arith.index_cast %scan3A_129 : i32 to index
          %get3A_158 = arith.constant 32 : index
          %get3A_159 = tpu.vector_load %arg9[%get3A_157, %get3A_158] {strides = array<i32>} : memref<80x128xf32, #tpu.memory_space<vmem>>, vector<1x16xf32>,
          %get3A_160 = vector.shape_cast %get3A_159 : vector<1x16xf32> to vector<16xf32>
          %get3A_161 = arith.index_cast %scan3A_129 : i32 to index
          %get3A_162 = arith.constant 32 : index
          %get3A_163 = tpu.vector_load %arg10[%get3A_161, %get3A_162] {strides = array<i32>} : memref<80x128xf32, #tpu.memory_space<vmem>>, vector<1x16xf32>,
          %get3A_164 = vector.shape_cast %get3A_163 : vector<1x16xf32> to vector<16xf32>
          %mul3A_165 = arith.mulf %get3A_160, %get3A_164 : vector<16xf32>
          %swap3A_166 = arith.index_cast %scan3A_129 : i32 to index
          %swap3A_167 = arith.constant 32 : index
          %swap3A_168 = tpu.vector_load %arg12[%swap3A_166, %swap3A_167] {strides = array<i32>} : memref<80x128xf32, #tpu.memory_space<vmem>>, vector<1x16xf32>,
          %swap3A_169 = vector.shape_cast %swap3A_168 : vector<1x16xf32> to vector<16xf32>
          %swap3A_170 = vector.shape_cast %mul3A_165 : vector<16xf32> to vector<1x16xf32>
          tpu.vector_store %arg12[%swap3A_166, %swap3A_167], %swap3A_170 {strides = array<i32>} : memref<80x128xf32, #tpu.memory_space<vmem>>, vector<1x16xf32>,
          %get3A_171 = arith.index_cast %scan3A_129 : i32 to index
          %get3A_172 = arith.constant 48 : index
          %get3A_173 = tpu.vector_load %arg9[%get3A_171, %get3A_172] {strides = array<i32>} : memref<80x128xf32, #tpu.memory_space<vmem>>, vector<1x16xf32>,
          %get3A_174 = vector.shape_cast %get3A_173 : vector<1x16xf32> to vector<16xf32>
          %get3A_175 = arith.index_cast %scan3A_129 : i32 to index
          %get3A_176 = arith.constant 48 : index
          %get3A_177 = tpu.vector_load %arg10[%get3A_175, %get3A_176] {strides = array<i32>} : memref<80x128xf32, #tpu.memory_space<vmem>>, vector<1x16xf32>,
          %get3A_178 = vector.shape_cast %get3A_177 : vector<1x16xf32> to vector<16xf32>
          %mul3A_179 = arith.mulf %get3A_174, %get3A_178 : vector<16xf32>
          %swap3A_180 = arith.index_cast %scan3A_129 : i32 to index
          %swap3A_181 = arith.constant 48 : index
          %swap3A_182 = tpu.vector_load %arg12[%swap3A_180, %swap3A_181] {strides = array<i32>} : memref<80x128xf32, #tpu.memory_space<vmem>>, vector<1x16xf32>,
          %swap3A_183 = vector.shape_cast %swap3A_182 : vector<1x16xf32> to vector<16xf32>
          %swap3A_184 = vector.shape_cast %mul3A_179 : vector<16xf32> to vector<1x16xf32>
          tpu.vector_store %arg12[%swap3A_180, %swap3A_181], %swap3A_184 {strides = array<i32>} : memref<80x128xf32, #tpu.memory_space<vmem>>, vector<1x16xf32>,
          %get3A_185 = arith.index_cast %scan3A_129 : i32 to index
          %get3A_186 = arith.constant 64 : index
          %get3A_187 = tpu.vector_load %arg9[%get3A_185, %get3A_186] {strides = array<i32>} : memref<80x128xf32, #tpu.memory_space<vmem>>, vector<1x16xf32>,
          %get3A_188 = vector.shape_cast %get3A_187 : vector<1x16xf32> to vector<16xf32>
          %get3A_189 = arith.index_cast %scan3A_129 : i32 to index
          %get3A_190 = arith.constant 64 : index
          %get3A_191 = tpu.vector_load %arg10[%get3A_189, %get3A_190] {strides = array<i32>} : memref<80x128xf32, #tpu.memory_space<vmem>>, vector<1x16xf32>,
          %get3A_192 = vector.shape_cast %get3A_191 : vector<1x16xf32> to vector<16xf32>
          %mul3A_193 = arith.mulf %get3A_188, %get3A_192 : vector<16xf32>
          %swap3A_194 = arith.index_cast %scan3A_129 : i32 to index
          %swap3A_195 = arith.constant 64 : index
          %swap3A_196 = tpu.vector_load %arg12[%swap3A_194, %swap3A_195] {strides = array<i32>} : memref<80x128xf32, #tpu.memory_space<vmem>>, vector<1x16xf32>,
          %swap3A_197 = vector.shape_cast %swap3A_196 : vector<1x16xf32> to vector<16xf32>
          %swap3A_198 = vector.shape_cast %mul3A_193 : vector<16xf32> to vector<1x16xf32>
          tpu.vector_store %arg12[%swap3A_194, %swap3A_195], %swap3A_198 {strides = array<i32>} : memref<80x128xf32, #tpu.memory_space<vmem>>, vector<1x16xf32>,
          %get3A_199 = arith.index_cast %scan3A_129 : i32 to index
          %get3A_200 = arith.constant 80 : index
          %get3A_201 = tpu.vector_load %arg9[%get3A_199, %get3A_200] {strides = array<i32>} : memref<80x128xf32, #tpu.memory_space<vmem>>, vector<1x16xf32>,
          %get3A_202 = vector.shape_cast %get3A_201 : vector<1x16xf32> to vector<16xf32>
          %get3A_203 = arith.index_cast %scan3A_129 : i32 to index
          %get3A_204 = arith.constant 80 : index
          %get3A_205 = tpu.vector_load %arg10[%get3A_203, %get3A_204] {strides = array<i32>} : memref<80x128xf32, #tpu.memory_space<vmem>>, vector<1x16xf32>,
          %get3A_206 = vector.shape_cast %get3A_205 : vector<1x16xf32> to vector<16xf32>
          %mul3A_207 = arith.mulf %get3A_202, %get3A_206 : vector<16xf32>
          %swap3A_208 = arith.index_cast %scan3A_129 : i32 to index
          %swap3A_209 = arith.constant 80 : index
          %swap3A_210 = tpu.vector_load %arg12[%swap3A_208, %swap3A_209] {strides = array<i32>} : memref<80x128xf32, #tpu.memory_space<vmem>>, vector<1x16xf32>,
          %swap3A_211 = vector.shape_cast %swap3A_210 : vector<1x16xf32> to vector<16xf32>
          %swap3A_212 = vector.shape_cast %mul3A_207 : vector<16xf32> to vector<1x16xf32>
          tpu.vector_store %arg12[%swap3A_208, %swap3A_209], %swap3A_212 {strides = array<i32>} : memref<80x128xf32, #tpu.memory_space<vmem>>, vector<1x16xf32>,
          %get3A_213 = arith.index_cast %scan3A_129 : i32 to index
          %get3A_214 = arith.constant 96 : index
          %get3A_215 = tpu.vector_load %arg9[%get3A_213, %get3A_214] {strides = array<i32>} : memref<80x128xf32, #tpu.memory_space<vmem>>, vector<1x16xf32>,
          %get3A_216 = vector.shape_cast %get3A_215 : vector<1x16xf32> to vector<16xf32>
          %get3A_217 = arith.index_cast %scan3A_129 : i32 to index
          %get3A_218 = arith.constant 96 : index
          %get3A_219 = tpu.vector_load %arg10[%get3A_217, %get3A_218] {strides = array<i32>} : memref<80x128xf32, #tpu.memory_space<vmem>>, vector<1x16xf32>,
          %get3A_220 = vector.shape_cast %get3A_219 : vector<1x16xf32> to vector<16xf32>
          %mul3A_221 = arith.mulf %get3A_216, %get3A_220 : vector<16xf32>
          %swap3A_222 = arith.index_cast %scan3A_129 : i32 to index
          %swap3A_223 = arith.constant 96 : index
          %swap3A_224 = tpu.vector_load %arg12[%swap3A_222, %swap3A_223] {strides = array<i32>} : memref<80x128xf32, #tpu.memory_space<vmem>>, vector<1x16xf32>,
          %swap3A_225 = vector.shape_cast %swap3A_224 : vector<1x16xf32> to vector<16xf32>
          %swap3A_226 = vector.shape_cast %mul3A_221 : vector<16xf32> to vector<1x16xf32>
          tpu.vector_store %arg12[%swap3A_222, %swap3A_223], %swap3A_226 {strides = array<i32>} : memref<80x128xf32, #tpu.memory_space<vmem>>, vector<1x16xf32>,
          %get3A_227 = arith.index_cast %scan3A_129 : i32 to index
          %get3A_228 = arith.constant 112 : index
          %get3A_229 = tpu.vector_load %arg9[%get3A_227, %get3A_228] {strides = array<i32>} : memref<80x128xf32, #tpu.memory_space<vmem>>, vector<1x16xf32>,
          %get3A_230 = vector.shape_cast %get3A_229 : vector<1x16xf32> to vector<16xf32>
          %get3A_231 = arith.index_cast %scan3A_129 : i32 to index
          %get3A_232 = arith.constant 112 : index
          %get3A_233 = tpu.vector_load %arg10[%get3A_231, %get3A_232] {strides = array<i32>} : memref<80x128xf32, #tpu.memory_space<vmem>>, vector<1x16xf32>,
          %get3A_234 = vector.shape_cast %get3A_233 : vector<1x16xf32> to vector<16xf32>
          %mul3A_235 = arith.mulf %get3A_230, %get3A_234 : vector<16xf32>
          %swap3A_236 = arith.index_cast %scan3A_129 : i32 to index
          %swap3A_237 = arith.constant 112 : index
          %swap3A_238 = tpu.vector_load %arg12[%swap3A_236, %swap3A_237] {strides = array<i32>} : memref<80x128xf32, #tpu.memory_space<vmem>>, vector<1x16xf32>,
          %swap3A_239 = vector.shape_cast %swap3A_238 : vector<1x16xf32> to vector<16xf32>
          %swap3A_240 = vector.shape_cast %mul3A_235 : vector<16xf32> to vector<1x16xf32>
          tpu.vector_store %arg12[%swap3A_236, %swap3A_237], %swap3A_240 {strides = array<i32>} : memref<80x128xf32, #tpu.memory_space<vmem>>, vector<1x16xf32>,
          %scan3A_241 = arith.constant 0 : i32
          %scan3A_242 = arith.constant 1 : i32
          %scan3A_243 = arith.addi %scan3A_129, %scan3A_242 : i32
          %get3A_244 = arith.index_cast %scan3A_243 : i32 to index
          %get3A_245 = arith.constant 0 : index
          %get3A_246 = tpu.vector_load %arg9[%get3A_244, %get3A_245] {strides = array<i32>} : memref<80x128xf32, #tpu.memory_space<vmem>>, vector<1x16xf32>,
          %get3A_247 = vector.shape_cast %get3A_246 : vector<1x16xf32> to vector<16xf32>
          %get3A_248 = arith.index_cast %scan3A_243 : i32 to index
          %get3A_249 = arith.constant 0 : index
          %get3A_250 = tpu.vector_load %arg10[%get3A_248, %get3A_249] {strides = array<i32>} : memref<80x128xf32, #tpu.memory_space<vmem>>, vector<1x16xf32>,
          %get3A_251 = vector.shape_cast %get3A_250 : vector<1x16xf32> to vector<16xf32>
          %mul3A_252 = arith.mulf %get3A_247, %get3A_251 : vector<16xf32>
          %swap3A_253 = arith.index_cast %scan3A_243 : i32 to index
          %swap3A_254 = arith.constant 0 : index
          %swap3A_255 = tpu.vector_load %arg12[%swap3A_253, %swap3A_254] {strides = array<i32>} : memref<80x128xf32, #tpu.memory_space<vmem>>, vector<1x16xf32>,
          %swap3A_256 = vector.shape_cast %swap3A_255 : vector<1x16xf32> to vector<16xf32>
          %swap3A_257 = vector.shape_cast %mul3A_252 : vector<16xf32> to vector<1x16xf32>
          tpu.vector_store %arg12[%swap3A_253, %swap3A_254], %swap3A_257 {strides = array<i32>} : memref<80x128xf32, #tpu.memory_space<vmem>>, vector<1x16xf32>,
          %get3A_258 = arith.index_cast %scan3A_243 : i32 to index
          %get3A_259 = arith.constant 16 : index
          %get3A_260 = tpu.vector_load %arg9[%get3A_258, %get3A_259] {strides = array<i32>} : memref<80x128xf32, #tpu.memory_space<vmem>>, vector<1x16xf32>,
          %get3A_261 = vector.shape_cast %get3A_260 : vector<1x16xf32> to vector<16xf32>
          %get3A_262 = arith.index_cast %scan3A_243 : i32 to index
          %get3A_263 = arith.constant 16 : index
          %get3A_264 = tpu.vector_load %arg10[%get3A_262, %get3A_263] {strides = array<i32>} : memref<80x128xf32, #tpu.memory_space<vmem>>, vector<1x16xf32>,
          %get3A_265 = vector.shape_cast %get3A_264 : vector<1x16xf32> to vector<16xf32>
          %mul3A_266 = arith.mulf %get3A_261, %get3A_265 : vector<16xf32>
          %swap3A_267 = arith.index_cast %scan3A_243 : i32 to index
          %swap3A_268 = arith.constant 16 : index
          %swap3A_269 = tpu.vector_load %arg12[%swap3A_267, %swap3A_268] {strides = array<i32>} : memref<80x128xf32, #tpu.memory_space<vmem>>, vector<1x16xf32>,
          %swap3A_270 = vector.shape_cast %swap3A_269 : vector<1x16xf32> to vector<16xf32>
          %swap3A_271 = vector.shape_cast %mul3A_266 : vector<16xf32> to vector<1x16xf32>
          tpu.vector_store %arg12[%swap3A_267, %swap3A_268], %swap3A_271 {strides = array<i32>} : memref<80x128xf32, #tpu.memory_space<vmem>>, vector<1x16xf32>,
          %get3A_272 = arith.index_cast %scan3A_243 : i32 to index
          %get3A_273 = arith.constant 32 : index
          %get3A_274 = tpu.vector_load %arg9[%get3A_272, %get3A_273] {strides = array<i32>} : memref<80x128xf32, #tpu.memory_space<vmem>>, vector<1x16xf32>,
          %get3A_275 = vector.shape_cast %get3A_274 : vector<1x16xf32> to vector<16xf32>
          %get3A_276 = arith.index_cast %scan3A_243 : i32 to index
          %get3A_277 = arith.constant 32 : index
          %get3A_278 = tpu.vector_load %arg10[%get3A_276, %get3A_277] {strides = array<i32>} : memref<80x128xf32, #tpu.memory_space<vmem>>, vector<1x16xf32>,
          %get3A_279 = vector.shape_cast %get3A_278 : vector<1x16xf32> to vector<16xf32>
          %mul3A_280 = arith.mulf %get3A_275, %get3A_279 : vector<16xf32>
          %swap3A_281 = arith.index_cast %scan3A_243 : i32 to index
          %swap3A_282 = arith.constant 32 : index
          %swap3A_283 = tpu.vector_load %arg12[%swap3A_281, %swap3A_282] {strides = array<i32>} : memref<80x128xf32, #tpu.memory_space<vmem>>, vector<1x16xf32>,
          %swap3A_284 = vector.shape_cast %swap3A_283 : vector<1x16xf32> to vector<16xf32>
          %swap3A_285 = vector.shape_cast %mul3A_280 : vector<16xf32> to vector<1x16xf32>
          tpu.vector_store %arg12[%swap3A_281, %swap3A_282], %swap3A_285 {strides = array<i32>} : memref<80x128xf32, #tpu.memory_space<vmem>>, vector<1x16xf32>,
          %get3A_286 = arith.index_cast %scan3A_243 : i32 to index
          %get3A_287 = arith.constant 48 : index
          %get3A_288 = tpu.vector_load %arg9[%get3A_286, %get3A_287] {strides = array<i32>} : memref<80x128xf32, #tpu.memory_space<vmem>>, vector<1x16xf32>,
          %get3A_289 = vector.shape_cast %get3A_288 : vector<1x16xf32> to vector<16xf32>
          %get3A_290 = arith.index_cast %scan3A_243 : i32 to index
          %get3A_291 = arith.constant 48 : index
          %get3A_292 = tpu.vector_load %arg10[%get3A_290, %get3A_291] {strides = array<i32>} : memref<80x128xf32, #tpu.memory_space<vmem>>, vector<1x16xf32>,
          %get3A_293 = vector.shape_cast %get3A_292 : vector<1x16xf32> to vector<16xf32>
          %mul3A_294 = arith.mulf %get3A_289, %get3A_293 : vector<16xf32>
          %swap3A_295 = arith.index_cast %scan3A_243 : i32 to index
          %swap3A_296 = arith.constant 48 : index
          %swap3A_297 = tpu.vector_load %arg12[%swap3A_295, %swap3A_296] {strides = array<i32>} : memref<80x128xf32, #tpu.memory_space<vmem>>, vector<1x16xf32>,
          %swap3A_298 = vector.shape_cast %swap3A_297 : vector<1x16xf32> to vector<16xf32>
          %swap3A_299 = vector.shape_cast %mul3A_294 : vector<16xf32> to vector<1x16xf32>
          tpu.vector_store %arg12[%swap3A_295, %swap3A_296], %swap3A_299 {strides = array<i32>} : memref<80x128xf32, #tpu.memory_space<vmem>>, vector<1x16xf32>,
          %get3A_300 = arith.index_cast %scan3A_243 : i32 to index
          %get3A_301 = arith.constant 64 : index
          %get3A_302 = tpu.vector_load %arg9[%get3A_300, %get3A_301] {strides = array<i32>} : memref<80x128xf32, #tpu.memory_space<vmem>>, vector<1x16xf32>,
          %get3A_303 = vector.shape_cast %get3A_302 : vector<1x16xf32> to vector<16xf32>
          %get3A_304 = arith.index_cast %scan3A_243 : i32 to index
          %get3A_305 = arith.constant 64 : index
          %get3A_306 = tpu.vector_load %arg10[%get3A_304, %get3A_305] {strides = array<i32>} : memref<80x128xf32, #tpu.memory_space<vmem>>, vector<1x16xf32>,
          %get3A_307 = vector.shape_cast %get3A_306 : vector<1x16xf32> to vector<16xf32>
          %mul3A_308 = arith.mulf %get3A_303, %get3A_307 : vector<16xf32>
          %swap3A_309 = arith.index_cast %scan3A_243 : i32 to index
          %swap3A_310 = arith.constant 64 : index
          %swap3A_311 = tpu.vector_load %arg12[%swap3A_309, %swap3A_310] {strides = array<i32>} : memref<80x128xf32, #tpu.memory_space<vmem>>, vector<1x16xf32>,
          %swap3A_312 = vector.shape_cast %swap3A_311 : vector<1x16xf32> to vector<16xf32>
          %swap3A_313 = vector.shape_cast %mul3A_308 : vector<16xf32> to vector<1x16xf32>
          tpu.vector_store %arg12[%swap3A_309, %swap3A_310], %swap3A_313 {strides = array<i32>} : memref<80x128xf32, #tpu.memory_space<vmem>>, vector<1x16xf32>,
          %get3A_314 = arith.index_cast %scan3A_243 : i32 to index
          %get3A_315 = arith.constant 80 : index
          %get3A_316 = tpu.vector_load %arg9[%get3A_314, %get3A_315] {strides = array<i32>} : memref<80x128xf32, #tpu.memory_space<vmem>>, vector<1x16xf32>,
          %get3A_317 = vector.shape_cast %get3A_316 : vector<1x16xf32> to vector<16xf32>
          %get3A_318 = arith.index_cast %scan3A_243 : i32 to index
          %get3A_319 = arith.constant 80 : index
          %get3A_320 = tpu.vector_load %arg10[%get3A_318, %get3A_319] {strides = array<i32>} : memref<80x128xf32, #tpu.memory_space<vmem>>, vector<1x16xf32>,
          %get3A_321 = vector.shape_cast %get3A_320 : vector<1x16xf32> to vector<16xf32>
          %mul3A_322 = arith.mulf %get3A_317, %get3A_321 : vector<16xf32>
          %swap3A_323 = arith.index_cast %scan3A_243 : i32 to index
          %swap3A_324 = arith.constant 80 : index
          %swap3A_325 = tpu.vector_load %arg12[%swap3A_323, %swap3A_324] {strides = array<i32>} : memref<80x128xf32, #tpu.memory_space<vmem>>, vector<1x16xf32>,
          %swap3A_326 = vector.shape_cast %swap3A_325 : vector<1x16xf32> to vector<16xf32>
          %swap3A_327 = vector.shape_cast %mul3A_322 : vector<16xf32> to vector<1x16xf32>
          tpu.vector_store %arg12[%swap3A_323, %swap3A_324], %swap3A_327 {strides = array<i32>} : memref<80x128xf32, #tpu.memory_space<vmem>>, vector<1x16xf32>,
          %get3A_328 = arith.index_cast %scan3A_243 : i32 to index
          %get3A_329 = arith.constant 96 : index
          %get3A_330 = tpu.vector_load %arg9[%get3A_328, %get3A_329] {strides = array<i32>} : memref<80x128xf32, #tpu.memory_space<vmem>>, vector<1x16xf32>,
          %get3A_331 = vector.shape_cast %get3A_330 : vector<1x16xf32> to vector<16xf32>
          %get3A_332 = arith.index_cast %scan3A_243 : i32 to index
          %get3A_333 = arith.constant 96 : index
          %get3A_334 = tpu.vector_load %arg10[%get3A_332, %get3A_333] {strides = array<i32>} : memref<80x128xf32, #tpu.memory_space<vmem>>, vector<1x16xf32>,
          %get3A_335 = vector.shape_cast %get3A_334 : vector<1x16xf32> to vector<16xf32>
          %mul3A_336 = arith.mulf %get3A_331, %get3A_335 : vector<16xf32>
          %swap3A_337 = arith.index_cast %scan3A_243 : i32 to index
          %swap3A_338 = arith.constant 96 : index
          %swap3A_339 = tpu.vector_load %arg12[%swap3A_337, %swap3A_338] {strides = array<i32>} : memref<80x128xf32, #tpu.memory_space<vmem>>, vector<1x16xf32>,
          %swap3A_340 = vector.shape_cast %swap3A_339 : vector<1x16xf32> to vector<16xf32>
          %swap3A_341 = vector.shape_cast %mul3A_336 : vector<16xf32> to vector<1x16xf32>
          tpu.vector_store %arg12[%swap3A_337, %swap3A_338], %swap3A_341 {strides = array<i32>} : memref<80x128xf32, #tpu.memory_space<vmem>>, vector<1x16xf32>,
          %get3A_342 = arith.index_cast %scan3A_243 : i32 to index
          %get3A_343 = arith.constant 112 : index
          %get3A_344 = tpu.vector_load %arg9[%get3A_342, %get3A_343] {strides = array<i32>} : memref<80x128xf32, #tpu.memory_space<vmem>>, vector<1x16xf32>,
          %get3A_345 = vector.shape_cast %get3A_344 : vector<1x16xf32> to vector<16xf32>
          %get3A_346 = arith.index_cast %scan3A_243 : i32 to index
          %get3A_347 = arith.constant 112 : index
          %get3A_348 = tpu.vector_load %arg10[%get3A_346, %get3A_347] {strides = array<i32>} : memref<80x128xf32, #tpu.memory_space<vmem>>, vector<1x16xf32>,
          %get3A_349 = vector.shape_cast %get3A_348 : vector<1x16xf32> to vector<16xf32>
          %mul3A_350 = arith.mulf %get3A_345, %get3A_349 : vector<16xf32>
          %swap3A_351 = arith.index_cast %scan3A_243 : i32 to index
          %swap3A_352 = arith.constant 112 : index
          %swap3A_353 = tpu.vector_load %arg12[%swap3A_351, %swap3A_352] {strides = array<i32>} : memref<80x128xf32, #tpu.memory_space<vmem>>, vector<1x16xf32>,
          %swap3A_354 = vector.shape_cast %swap3A_353 : vector<1x16xf32> to vector<16xf32>
          %swap3A_355 = vector.shape_cast %mul3A_350 : vector<16xf32> to vector<1x16xf32>
          tpu.vector_store %arg12[%swap3A_351, %swap3A_352], %swap3A_355 {strides = array<i32>} : memref<80x128xf32, #tpu.memory_space<vmem>>, vector<1x16xf32>,
          %scan3A_356 = arith.constant 0 : i32
          scf.yield %scan3A_356 : i32
        }
        %scan3A_114 = arith.constant 80 : i32
        %add3A_115 = arith.constant 2 : i32
        %add3A_116 = arith.addi %add3A_84, %add3A_115 : i32
        %lt3A_117 = arith.constant 125 : i32
        %lt3A_118 = arith.cmpi slt, %add3A_116, %lt3A_117 : i32
        %convert_element_type3A_119 = arith.extui %lt3A_118 : i1 to i32
        %cond3A_120 = arith.constant 0 : i32
        %cond3A_121 = arith.cmpi ne, %convert_element_type3A_119, %cond3A_120 : i32
        scf.if %cond3A_121 {
          %add3A_129 = arith.constant 2 : i32
          %add3A_130 = arith.addi %add3A_84, %add3A_129 : i32
          %mul3A_131 = arith.constant 80 : i32
          %mul3A_132 = arith.muli %add3A_130, %mul3A_131 : i32
          %mul3A_133 = arith.constant 80 : i32
          %mul3A_134 = arith.muli %add3A_130, %mul3A_133 : i32
          %dma_start3A_135 = tpu.memref_slice %arg5[%mul3A_132] : memref<10000xi32, #tpu.memory_space<vmem>> -> memref<80xi32, #tpu.memory_space<vmem>>
          %dma_start3A_136 = arith.constant 0 : i32
          %dma_start3A_137 = arith.constant 0 : i32
          %dma_start3A_138 = tpu.memref_slice %arg2[%dma_start3A_136, %dma_start3A_137] : memref<10000x128xf32, #tpu.memory_space<hbm>> -> memref<10000x128xf32, #tpu.memory_space<hbm>>
          tpu.enqueue_indirect_dma source(%dma_start3A_138 : memref<10000x128xf32, #tpu.memory_space<hbm>>) target(%arg9 : memref<80x128xf32, #tpu.memory_space<vmem>>) offsets(%dma_start3A_135 : memref<80xi32, #tpu.memory_space<vmem>>) semaphore(%arg15 : memref<!tpu.dma_semaphore, #tpu.memory_space<semaphore_mem>>)
          %dma_start3A_139 = tpu.memref_slice %arg6[%mul3A_134] : memref<10000xi32, #tpu.memory_space<vmem>> -> memref<80xi32, #tpu.memory_space<vmem>>
          %dma_start3A_140 = arith.constant 0 : i32
          %dma_start3A_141 = arith.constant 0 : i32
          %dma_start3A_142 = tpu.memref_slice %arg2[%dma_start3A_140, %dma_start3A_141] : memref<10000x128xf32, #tpu.memory_space<hbm>> -> memref<10000x128xf32, #tpu.memory_space<hbm>>
          tpu.enqueue_indirect_dma source(%dma_start3A_142 : memref<10000x128xf32, #tpu.memory_space<hbm>>) target(%arg10 : memref<80x128xf32, #tpu.memory_space<vmem>>) offsets(%dma_start3A_139 : memref<80xi32, #tpu.memory_space<vmem>>) semaphore(%arg16 : memref<!tpu.dma_semaphore, #tpu.memory_space<semaphore_mem>>)
        } else {
        }
        %mul3A_122 = arith.constant 80 : i32
        %mul3A_123 = arith.muli %add3A_84, %mul3A_122 : i32
        %add3A_124 = arith.addi %mul3A_2, %mul3A_123 : i32
        %dma_start3A_125 = arith.constant 0 : i32
        %dma_start3A_126 = tpu.memref_slice %arg4[%add3A_124, %dma_start3A_125] : memref<320000x128xf32, #tpu.memory_space<hbm>> -> memref<80x128xf32, #tpu.memory_space<hbm>>
        %dma_start3A_127 = arith.constant 0 : i32
        %dma_start3A_128 = tpu.memref_slice %arg4[%add3A_124, %dma_start3A_127] : memref<320000x128xf32, #tpu.memory_space<hbm>> -> memref<80x128xf32, #tpu.memory_space<hbm>>
        tpu.enqueue_dma source(%arg12 : memref<80x128xf32, #tpu.memory_space<vmem>>) target(%dma_start3A_128 : memref<80x128xf32, #tpu.memory_space<hbm>>) target_semaphore(%arg18 : memref<!tpu.dma_semaphore, #tpu.memory_space<semaphore_mem>>)
      } else {
      }
      %scan3A_90 = arith.constant 0 : i32
      scf.yield %scan3A_90 : i32
    }
    %scan3A_29 = arith.constant 63 : i32
    %add3A_30 = arith.constant 9920 : i32
    %add3A_31 = arith.addi %mul3A_2, %add3A_30 : i32
    %dma_wait3A = arith.constant 0 : i32
    %dma_wait3A_32 = tpu.memref_slice %arg4[%add3A_31, %dma_wait3A] : memref<320000x128xf32, #tpu.memory_space<hbm>> -> memref<80x128xf32, #tpu.memory_space<hbm>>
    %dma_wait3A_33 = arith.constant 0 : i32
    %dma_wait3A_34 = tpu.memref_slice %arg4[%add3A_31, %dma_wait3A_33] : memref<320000x128xf32, #tpu.memory_space<hbm>> -> memref<80x128xf32, #tpu.memory_space<hbm>>
    tpu.wait_dma2 semaphore(%arg17 : memref<!tpu.dma_semaphore, #tpu.memory_space<semaphore_mem>>) src(%arg11 : memref<80x128xf32, #tpu.memory_space<vmem>>) dst(%dma_wait3A_34 : memref<80x128xf32, #tpu.memory_space<hbm>>)
    %add3A_35 = arith.constant 9840 : i32
    %add3A_36 = arith.addi %mul3A_2, %add3A_35 : i32
    %dma_wait3A_37 = arith.constant 0 : i32
    %dma_wait3A_38 = tpu.memref_slice %arg4[%add3A_36, %dma_wait3A_37] : memref<320000x128xf32, #tpu.memory_space<hbm>> -> memref<80x128xf32, #tpu.memory_space<hbm>>
    %dma_wait3A_39 = arith.constant 0 : i32
    %dma_wait3A_40 = tpu.memref_slice %arg4[%add3A_36, %dma_wait3A_39] : memref<320000x128xf32, #tpu.memory_space<hbm>> -> memref<80x128xf32, #tpu.memory_space<hbm>>
    tpu.wait_dma2 semaphore(%arg18 : memref<!tpu.dma_semaphore, #tpu.memory_space<semaphore_mem>>) src(%arg12 : memref<80x128xf32, #tpu.memory_space<vmem>>) dst(%dma_wait3A_40 : memref<80x128xf32, #tpu.memory_space<hbm>>)
    return
  }
}

module attributes {stable_mosaic.version = 14 : i64} {
  func.func @_mlp_body(%arg0: i32, %arg1: memref<16000x128xf32, #tpu.memory_space<vmem>>, %arg2: memref<128x64xf32, #tpu.memory_space<vmem>>, %arg3: memref<1x64xf32, #tpu.memory_space<vmem>>, %arg4: memref<1x64xf32, #tpu.memory_space<vmem>>, %arg5: memref<1x1xf32, #tpu.memory_space<vmem>>, %arg6: memref<16000x1xf32, #tpu.memory_space<vmem>>) attributes {dimension_semantics = [#tpu.dimension_semantics<arbitrary>], iteration_bounds = array<i64: 20>, scalar_prefetch = 0 : i64, scratch_operands = 0 : i64, tpu.core_type = #tpu.core_type<tc>, window_params = [{transform_indices = @transform_0, window_bounds = array<i64: 16000, 128>}, {pipeline_mode = #tpu.pipeline_mode<synchronous>, transform_indices = @transform_1, window_bounds = array<i64: 128, 64>}, {pipeline_mode = #tpu.pipeline_mode<synchronous>, transform_indices = @transform_2, window_bounds = array<i64: 1, 64>}, {pipeline_mode = #tpu.pipeline_mode<synchronous>, transform_indices = @transform_3, window_bounds = array<i64: 1, 64>}, {pipeline_mode = #tpu.pipeline_mode<synchronous>, transform_indices = @transform_4, window_bounds = array<i64: 1, 1>}, {transform_indices = @transform_5, window_bounds = array<i64: 16000, 1>}]} {
    %get3A = arith.constant 0 : index
    %get3A_0 = arith.constant 0 : index
    %get3A_1 = vector.load %arg1[%get3A, %get3A_0] : memref<16000x128xf32, #tpu.memory_space<vmem>>, vector<16000x128xf32>
    %get3A_2 = arith.constant 0 : index
    %get3A_3 = arith.constant 0 : index
    %get3A_4 = vector.load %arg2[%get3A_2, %get3A_3] : memref<128x64xf32, #tpu.memory_space<vmem>>, vector<128x64xf32>
    %dot_general3A = arith.constant dense<0.000000e+00> : vector<16000x64xf32>
    %dot_general3A_5 = tpu.matmul %get3A_1, %get3A_4, %dot_general3A {dimension_numbers = #tpu.dot_dimension_numbers<[1], [0], [0], [1], [0, 0, 1, 1], [], []>, transpose_lhs_hint = false} : vector<16000x128xf32>, vector<128x64xf32>, vector<16000x64xf32> -> vector<16000x64xf32>
    %get3A_6 = arith.constant 0 : index
    %get3A_7 = arith.constant 0 : index
    %get3A_8 = vector.load %arg3[%get3A_6, %get3A_7] : memref<1x64xf32, #tpu.memory_space<vmem>>, vector<1x64xf32>
    %add3A = vector.broadcast %get3A_8 : vector<1x64xf32> to vector<16000x64xf32>
    %add3A_9 = arith.addf %dot_general3A_5, %add3A : vector<16000x64xf32>
    %max3A = arith.constant 0.000000e+00 : f32
    %max3A_10 = vector.broadcast %max3A : f32 to vector<16000x64xf32>
    %max3A_11 = arith.maximumf %add3A_9, %max3A_10 : vector<16000x64xf32>
    %get3A_12 = arith.constant 0 : index
    %get3A_13 = arith.constant 0 : index
    %get3A_14 = vector.load %arg4[%get3A_12, %get3A_13] : memref<1x64xf32, #tpu.memory_space<vmem>>, vector<1x64xf32>
    %mul3A = vector.broadcast %get3A_14 : vector<1x64xf32> to vector<16000x64xf32>
    %mul3A_15 = arith.mulf %max3A_11, %mul3A : vector<16000x64xf32>
    %reduce_sum3A = arith.constant dense<0.000000e+00> : vector<16000xf32>
    %reduce_sum3A_16 = vector.multi_reduction <add>, %mul3A_15, %reduce_sum3A [1] : vector<16000x64xf32> to vector<16000xf32>
    %broadcast_in_dim3A = vector.shape_cast %reduce_sum3A_16 : vector<16000xf32> to vector<16000x1xf32>
    %get3A_17 = arith.constant 0 : index
    %get3A_18 = arith.constant 0 : index
    %get3A_19 = vector.load %arg5[%get3A_17, %get3A_18] : memref<1x1xf32, #tpu.memory_space<vmem>>, vector<1x1xf32>
    %add3A_20 = vector.broadcast %get3A_19 : vector<1x1xf32> to vector<16000x1xf32>
    %add3A_21 = arith.addf %broadcast_in_dim3A, %add3A_20 : vector<16000x1xf32>
    %logistic3A = arith.negf %add3A_21 : vector<16000x1xf32>
    %logistic3A_22 = math.exp %logistic3A : vector<16000x1xf32>
    %logistic3A_23 = arith.constant 1.000000e+00 : f32
    %logistic3A_24 = vector.broadcast %logistic3A_23 : f32 to vector<16000x1xf32>
    %logistic3A_25 = arith.addf %logistic3A_24, %logistic3A_22 : vector<16000x1xf32>
    %logistic3A_26 = arith.divf %logistic3A_24, %logistic3A_25 : vector<16000x1xf32>
    %swap3A = arith.constant 0 : index
    %swap3A_27 = arith.constant 0 : index
    %swap3A_28 = vector.load %arg6[%swap3A, %swap3A_27] : memref<16000x1xf32, #tpu.memory_space<vmem>>, vector<16000x1xf32>
    tpu.vector_store %arg6[%swap3A, %swap3A_27], %logistic3A_26 {strides = array<i32>} : memref<16000x1xf32, #tpu.memory_space<vmem>>, vector<16000x1xf32>,
    return
  }
  func.func @transform_0(%arg0: i32) -> (i32, i32) {
    %c0_i32 = arith.constant 0 : i32
    %c0_i32_0 = arith.constant 0 : i32
    return %arg0, %c0_i32 : i32, i32
  }
  func.func @transform_1(%arg0: i32) -> (i32, i32) {
    %c0_i32 = arith.constant 0 : i32
    %c0_i32_0 = arith.constant 0 : i32
    %c0_i32_1 = arith.constant 0 : i32
    return %c0_i32, %c0_i32_0 : i32, i32
  }
  func.func @transform_2(%arg0: i32) -> (i32, i32) {
    %c0_i32 = arith.constant 0 : i32
    %c0_i32_0 = arith.constant 0 : i32
    %c0_i32_1 = arith.constant 0 : i32
    return %c0_i32, %c0_i32_0 : i32, i32
  }
  func.func @transform_3(%arg0: i32) -> (i32, i32) {
    %c0_i32 = arith.constant 0 : i32
    %c0_i32_0 = arith.constant 0 : i32
    %c0_i32_1 = arith.constant 0 : i32
    return %c0_i32, %c0_i32_0 : i32, i32
  }
  func.func @transform_4(%arg0: i32) -> (i32, i32) {
    %c0_i32 = arith.constant 0 : i32
    %c0_i32_0 = arith.constant 0 : i32
    %c0_i32_1 = arith.constant 0 : i32
    return %c0_i32, %c0_i32_0 : i32, i32
  }
  func.func @transform_5(%arg0: i32) -> (i32, i32) {
    %c0_i32 = arith.constant 0 : i32
    %c0_i32_0 = arith.constant 0 : i32
    return %arg0, %c0_i32 : i32, i32
  }
}

</mosaic_0001>

<sc_bundles>
// kernel: kernel.4.cloned.1.call-start
scs
__scs_entry_jumppad:
0x0: {  	(pc) =	sbr.rel $0x88, $3  }
0x1: {  	(tag) =	ssettag $0x0;
	lr =	simm.s32 $0x1  }
0x2: {  	[smem:$0x3F9B] =	sst lr;
	_ =	strace $0xD0000000  }
0x3: {  	_ = 	snop  }
0x4: {  	_ = 	snop  }
0x5: {  	_ = 	snop  }
0x6: {  	_ = 	snop  }
0x7: {  	_ = 	snop  }
__scs_overlays_trampoline_lowered:
0x8: {  	[smem:$0x3FAA] =	sst s0  }
0x9: {  	[smem:$0x3FAB] =	sst s1  }
0xa: {  	[smem:$0x3FAC] =	sst s2  }
0xb: {  	[smem:$0x3FAD] =	sst s3  }
0xc: {  	[smem:$0x3FAE] =	sst s4  }
0xd: {  	[smem:$0x3FAF] =	sst s5  }
0xe: {  	[smem:$0x3FB0] =	sst s6  }
0xf: {  	[smem:$0x3FB1] =	sst s7  }
0x10: {  	[smem:$0x3FB2] =	sst s8  }
0x11: {  	[smem:$0x3FB3] =	sst s9;
	s0 =	simm.s32 @!p0 $0x0  }
0x12: {  	s1 =	sld [smem:$0x3F99];
	s0 =	simm.s32 @p0 $0x1  }
0x13: {  	[smem:$0x3FB4] =	sst s0;
	s0 =	simm.s32 @!p1 $0x0  }
0x14: {  	s2 =	sld [smem:$0x3F98];
	s0 =	simm.s32 @p1 $0x1  }
0x15: {  	[smem:$0x3FB5] =	sst s0;
	s0 =	simm.s32 @!p2 $0x0  }
0x16: {  	s3 =	sld [smem:$0x3FDB];
	s0 =	simm.s32 @p2 $0x1  }
0x17: {  	s4 =	simm.s32 $0x1BF5;
	[smem:$0x3FB7] =	sst s0  }
0x18: {  	s0 =	sld [smem:$0x3F9A];
	_ =	swait.ge [sflag:s4], $0x0  }
0x19: {  	s7 =	sld [smem:$0x3F9B]  }
0x1a: {  	s8 =	sadd.s32 $0xFFFFE003, lr  }
0x1b: {  	s9 =	sadd.s32 $0xFFFFFEF7, lr;
	s5 =	simm.s32 $0xFFFFFFFF;
	p2 =	slt.u32 s8, $0xFFFFF086  }
0x1c: {  	p1 =	slt.u32 s9, $0xF7A;
	s5 =	simm.s32 @!p2 $0x0  }
0x1d: {  	s5 =	simm.s32 @p1 $0x1;
	p0 =	seq.s32 s7, s2  }
0x1e: {  	s7 =	smul.u32 @!p0 $0xF7A, s2;
	p2 =	seq.s32 @!p0 s5, $0x0  }
0x1f: {  	s9 =	smul.u32 $0xF7A, s1;
	s8 =	simm.s32 @!p0 $0x1BF5;
	p2 =	por !p2, p0  }
0x20: {  	[sflag:s8] =	ssyncset.s32 @!p0 $0xFFFFF086;
	s6 =	sadd.s32 @!p0 s3, s7;
	s7 =	simm.s32 @!p0 $0x108  }
0x21: {  	s3 =	sadd.s32 s3, s9;
	s6 =	sadd.s32 @!p0 $0x88, s6;
	s7 =	simm.s32 @p2 $0x1082  }
0x22: {  	[simem:s7], [sflag:s8] =	dma.local @!p0 [hbm:s6], $0xF7A  }
0x23: {  	s9 =	sor.u32 $0xD0000000, s2;
	s6 =	simm.s32 $0x108;
	_ =	swait.ge @!p0 [sflag:s8], $0x0  }
0x24: {  	s3 =	sadd.s32 $0x88, s3;
	s6 =	simm.s32 @!p1 $0x1082;
	[sflag:s4] =	ssyncset.s32 $0xFFFFF086  }
0x25: {  	[simem:s6], [sflag:s4] =	dma.local [hbm:s3], $0xF7A  }
0x26: {  	[smem:$0x3F9B] =	sst s1;
	(tag) =	ssettag s2;
	_ =	strace s9  }
0x27: {  	s1 =	sld [smem:$0x3FAB]  }
0x28: {  	s2 =	sld [smem:$0x3FAC]  }
0x29: {  	s4 =	sld [smem:$0x3FAE]  }
0x2a: {  	p0 =	seq.s32 s5, $0x0;
	s5 =	sld [smem:$0x3FAF]  }
0x2b: {  	s6 =	sld [smem:$0x3FB0]  }
0x2c: {  	s7 =	sld [smem:$0x3FB1]  }
0x2d: {  	s3 =	simm.s32 $0x108;
	s8 =	sld [smem:$0x3FB2]  }
0x2e: {  	s3 =	simm.s32 @!p0 $0x1082;
	s9 =	sld [smem:$0x3FB3]  }
0x2f: {  	lr =	sadd.s32 s0, s3;
	s0 =	sld [smem:$0x3FAA]  }
0x30: {  	s3 =	sld [smem:$0x3FAD]  }
0x31: {  	[smem:$0x3FB6] =	sst s10  }
0x32: {  	s10 =	sld [smem:$0x3FB4];
	_ =	sdelay $0x3  }
0x33: {  	p0 =	seq.s32 s10, $0x1;
	s10 =	sld [smem:$0x3FB6];
	_ =	sdelay $0x3  }
0x34: {  	[smem:$0x3FB6] =	sst s10  }
0x35: {  	s10 =	sld [smem:$0x3FB5];
	_ =	sdelay $0x3  }
0x36: {  	p1 =	seq.s32 s10, $0x1;
	s10 =	sld [smem:$0x3FB6];
	_ =	sdelay $0x3  }
0x37: {  	[smem:$0x3FB6] =	sst s10  }
0x38: {  	s10 =	sld [smem:$0x3FB7]  }
0x39: {  	_ = 	snop;
	(pc) =	sbr.ind lr, $3  }
0x3a: {  	_ = 	snop  }
0x3b: {  	_ = 	snop  }
0x3c: {  	p2 =	seq.s32 s10, $0x1;
	s10 =	sld [smem:$0x3FB6]  }
0x3d: {  	_ =	shalt  }
0x3e: {  	_ =	shalt  }
0x3f: {  	_ =	shalt  }
0x40: {  	_ =	shalt  }
0x41: {  	_ =	shalt  }
0x42: {  	_ =	shalt  }
0x43: {  	_ =	shalt  }
0x44: {  	_ =	shalt  }
0x45: {  	_ =	shalt  }
0x46: {  	_ =	shalt  }
0x47: {  	_ =	shalt  }
0x48: {  	_ =	shalt  }
0x49: {  	_ =	shalt  }
0x4a: {  	_ =	shalt  }
0x4b: {  	_ =	shalt  }
0x4c: {  	_ =	shalt  }
0x4d: {  	_ =	shalt  }
0x4e: {  	_ =	shalt  }
0x4f: {  	_ =	shalt  }
0x50: {  	_ =	shalt  }
0x51: {  	_ =	shalt  }
0x52: {  	_ =	shalt  }
0x53: {  	_ =	shalt  }
0x54: {  	_ =	shalt  }
0x55: {  	_ =	shalt  }
0x56: {  	_ =	shalt  }
0x57: {  	_ =	shalt  }
0x58: {  	_ =	shalt  }
0x59: {  	_ =	shalt  }
0x5a: {  	_ =	shalt  }
0x5b: {  	_ =	shalt  }
0x5c: {  	_ =	shalt  }
0x5d: {  	_ =	shalt  }
0x5e: {  	_ =	shalt  }
0x5f: {  	_ =	shalt  }
0x60: {  	_ =	shalt  }
0x61: {  	_ =	shalt  }
0x62: {  	_ =	shalt  }
0x63: {  	_ =	shalt  }
0x64: {  	_ =	shalt  }
0x65: {  	_ =	shalt  }
0x66: {  	_ =	shalt  }
0x67: {  	_ =	shalt  }
0x68: {  	_ =	shalt  }
0x69: {  	_ =	shalt  }
0x6a: {  	_ =	shalt  }
0x6b: {  	_ =	shalt  }
0x6c: {  	_ =	shalt  }
0x6d: {  	_ =	shalt  }
0x6e: {  	_ =	shalt  }
0x6f: {  	_ =	shalt  }
0x70: {  	_ =	shalt  }
0x71: {  	_ =	shalt  }
0x72: {  	_ =	shalt  }
0x73: {  	_ =	shalt  }
0x74: {  	_ =	shalt  }
0x75: {  	_ =	shalt  }
0x76: {  	_ =	shalt  }
0x77: {  	_ =	shalt  }
0x78: {  	_ =	shalt  }
0x79: {  	_ =	shalt  }
0x7a: {  	_ =	shalt  }
0x7b: {  	_ =	shalt  }
0x7c: {  	_ =	shalt  }
0x7d: {  	_ =	shalt  }
0x7e: {  	_ =	shalt  }
0x7f: {  	_ =	shalt  }
0x80: {  	_ =	shalt  }
0x81: {  	_ =	shalt  }
0x82: {  	_ =	shalt  }
0x83: {  	_ =	shalt  }
0x84: {  	_ =	shalt  }
0x85: {  	_ =	shalt  }
0x86: {  	_ =	shalt  }
0x87: {  	_ =	shalt  }
.Lfunc_end0:
.L_simem_size_0:
called_computation_lowered:
.L_overlay_start_0:
0x88: {  	s2 =	sld [smem:$0x3FD9]  }
0x89: {  	s3 =	sld [smem:$0x3FFE];
	_ =	sdelay $0x1  }
0x8a: {  	s1 =	srdreg.scid  }
0x8b: {  	s0 =	sand.u32 $0x1, s1  }
0x8c: {  	s17 =	sshll.u32 s0, $0xA;
	s2 =	sadd.s32 s3, s2  }
0x8d: {  	s2 =	sadd.s32 s2, s17  }
0x8e: {  	[smem:$0x3FC2] =	sst s2  }
0x8f: {  	_ = 	snop  }
0x90: {  	s2 =	sld [smem:$0x3FC9];
	(tm) =	ssettm $0x1  }
0x91: {  	s18 =	sld [smem:$0x3FFB];
	_ =	sdelay $0x3  }
0x92: {  	_ =	strace s18  }
0x93: {  	s3 =	sld [smem:$0x3FFC];
	_ =	sdelay $0x3  }
0x94: {  	_ =	strace s3  }
0x95: {  	s3 =	sld [smem:$0x3FFD];
	_ =	sdelay $0x3  }
0x96: {  	_ =	strace s3  }
0x97: {  	_ =	strace $0x8FFFFFFF  }
0x98: {  	s19 =	sld [smem:$0x3FDB];
	_ =	sdelay $0x1  }
0x99: {  	s4 =	simm.s32 $_scs_section_size  }
0x9a: {  	s5 =	simm.s32 $_size__tile_overlayer_lowered;
	s6 =	simm.s32 $_tile_overlayer_lowered  }
0x9b: {  	s22 =	simm.s32 $0x1BFF;
	s21 =	sshll.u32 s6, $0x1;
	s3 =	sadd.s32 s4, s19  }
0x9c: {  	s7 =	simm.s32 $0x0;
	s20 =	sshll.u32 s5, $0x1;
	s5 =	sadd.s32 s21, s3  }
0x9d: {  	[timem:s7], [sflag:s22] =	dma.local [hbm:s5], s20  }
0x9e: {  	_ =	swait.ge [sflag:s22], s20  }
0x9f: {  	s4 =	ssub.s32 $0x0, s20;
	[sflag:s22] =	ssyncset.done $0x0  }
0xa0: {  	[sflag:s22] =	ssyncadd.s32 s4;
	_ =	sdelay $0x1  }
0xa1: {  	s23 =	simm.s32 $0x1B8B  }
0xa2: {  	_ =	swait.ge [sflag:s23], $0x1  }
0xa3: {  	[sflag:s23] =	ssyncset.done $0x0  }
0xa4: {  	s25 =	simm.s32 $0x1B8E;
	s24 =	sld [smem:$0x3FFE];
	[sflag:s23] =	ssyncadd.s32 $0xFFFFFFFF  }
0xa5: {  	s26 =	simm.s32 $execute0_lowered;
	[smem:$0x3FD2] =	sst s25  }
0xa6: {  	s5 =	sshll.u32 s26, $0x1;
	_ =	strace $0x80000046;
	[dreg:$0x1] =	wrdreg $0xFFFFFFFF  }
0xa7: {  	s28 =	simm.s32 $_size_execute0_lowered;
	s3 =	sadd.s32 s3, s5;
	[dreg:$0x0] =	wrdreg $0x0  }
0xa8: {  	s5 =	sshll.u32 s28, $0x1;
	[dreg:$0x2] =	wrdreg s3  }
0xa9: {  	[dreg:$0x3] =	wrdreg s5  }
0xaa: {  	[dreg:$0x4] =	wrdreg $0xC0  }
0xab: {  	_ =	task [dreg:s7], $0x5FFFF  }
0xac: {  	[dreg:$0x1] =	wrdreg $0xFFFFFFFF  }
0xad: {  	[dreg:$0x0] =	wrdreg $0x60  }
0xae: {  	[dreg:$0x2] =	wrdreg s2  }
0xaf: {  	[dreg:$0x3] =	wrdreg s24  }
0xb0: {  	[dreg:$0x4] =	wrdreg $0x9  }
0xb1: {  	_ =	task.clear_ibuf [dreg:s7], $0x5FFFF;
	_ =	strace $0x90000046  }
0xb2: {  	s29 =	simm.s32 $0x9;
	_ =	strace $0x80000048  }
0xb3: {  	_ =	swait.ge [sflag:s29], $0x1  }
0xb4: {  	[sflag:s29] =	ssyncadd.s32 $0xFFFFFFFF  }
0xb5: {  	_ =	strace $0x90000048  }
0xb6: {  	_ =	sfence  }
0xb7: {  	s30 =	sld [smem:$0x0];
	_ =	sdelay $0x2  }
0xb8: {  	s31 =	sshll.u32 s1, $0xD;
	s1 =	sshrl.u32 s1, $0x2  }
0xb9: {  	s3 =	sand.u32 $0x4000, s31;
	s1 =	sadd.s32 s1, s30  }
0xba: {  	s0 =	sor.u32 s3, s0;
	s1 =	sshll.u32 s1, $0x11  }
0xbb: {  	s0 =	sor.u32 s1, s0  }
0xbc: {  	s0 =	sadd.s32 $0x8F2B, s0  }
0xbd: {  	[sflag:s0] =	ssyncadd.remote.s32 $0x1  }
0xbe: {  	_ =	sfence.sel $0xFFFF  }
0xbf: {  	[dreg:$0x0] =	wrdreg $0xFFFFFFFF;
	(pc) =	sbr.abs _section_cstart, $3  }
0xc0: {  	[dreg:$0x1] =	wrdreg $0xFFFFFFFF  }
0xc1: {  	_ =	task.clear_ibuf [dreg:s7], $0x2FFFF;
	_ =	strace $0x9FFFFFFF  }
0xc2: {  	(tm) =	ssettm $0x7FFFFFFF  }
0xc3: {  	_ =	shalt  }
tec
execute0_lowered:
.L_overlay_start_1:
0x0: {  	(tag) =	ssettag $0x1  }
0x1: {  	s0 =	srdreg.scid;
	s2 =	rddreg [dreg:$0x0]  }
0x2: {  	s1 =	stileid.u32;
	s5 =	rddreg [dreg:$0x1];
	s3 =	simm.s32 $0x0  }
0x3: {  	s9 =	simm.s32 $0x7;
	s10 =	simm.s32 $0x2780;
	s11 =	simm.s32 $0x50  }
0x4: {  	s15 =	simm.s32 $0x27D0;
	s16 =	simm.s32 $0xC700;
	s17 =	simm.s32 $0x1  }
0x5: {  	s18 =	simm.s32 $0x2;
	s0 =	sand.u32 $0x1, s0;
	s1 =	sshll.u32 s1, $0x1  }
0x6: {  	s19 =	simm.s32 $0xEF00;
	s20 =	simm.s32 $0x3;
	s1 =	sor.u32 s0, s1  }
0x7: {  	s21 =	simm.s32 $0x4;
	s22 =	simm.s32 $0x11700;
	s4 =	smul.u32 $0x2710, s1  }
.Ltmp0:
0x8: {  	s23 =	simm.s32 $0x5;
	s0 =	ssub.s32 $0x2, s0;
	(pc) =	sbr.rel .LBB2_1-.Ltmp0, $4  }
0x9: {  	s24 =	simm.s32 $0x6;
	s25 =	simm.s32 $0x0;
	s6 =	sshrl.u32 s0, $0x1  }
0xa: {  	[smem:$0x7FF] =	sst s3;
	s0 =	ssub.s32 s0, s6;
	s1 =	sshrl.u32 s4, $0x3  }
0xb: {  	_ =	strace $0x80000047;
	s8 =	smax.u32 s0, $0x1;
	s1 =	sadd.s32 s1, s5  }
0xc: {  	s5 =	sadd.s32 $0x14400, s5;
	s6 =	sadd.s32 $0xA00, s1;
	s7 =	sadd.s32 $0xA640, s1  }
.LBB2_9:
0xd: {  	s25 =	sadd.s32 $0x1, s25  }
0xe: {  	_ =	swait.ge [sflag:s23], $0x2800;
	p0 =	sne.s32 s25, s8  }
.Ltmp1:
0xf: {  	[sflag:s23] =	ssyncset.done $0x0;
	(pc) =	sbr.rel @!p0 .LBB2_10-.Ltmp1, $4  }
0x10: {  	[sflag:s23] =	ssyncadd.s32 $0xFFFFD800  }
0x11: {  	_ =	swait.ge [sflag:s24], $0x2800  }
0x12: {  	[sflag:s24] =	ssyncset.done $0x0  }
0x13: {  	[sflag:s24] =	ssyncadd.s32 $0xFFFFD800  }
.LBB2_1:
0x14: {  	[tilespmem:s3], [sflag:$0x7] =	stream.linear.gather [hbm4b:s6+s3], $0x2710, $0x38;
	[tilespmem:$0x13F00] =	vst v63  }
0x15: {  	_ =	swait.ge [sflag:s9], $0x2710  }
0x16: {  	[sflag:s9] =	ssyncset.done $0x0  }
0x17: {  	[sflag:s9] =	ssyncadd.s32 $0xFFFFD8F0  }
0x18: {  	[tilespmem:s10], [sflag:$0x7] =	stream.linear.gather [hbm4b:s7+s3], $0x2710, $0x38;
	[tilespmem:$0x13F00] =	vst v63  }
0x19: {  	_ =	swait.ge [sflag:s9], $0x2710  }
0x1a: {  	[sflag:s9] =	ssyncset.done $0x0  }
0x1b: {  	s0 =	simm.s32 $0x4F00;
	[sflag:s9] =	ssyncadd.s32 $0xFFFFD8F0  }
0x1c: {  	[tilespmem:s0], [sflag:$0x1] =	stream.indirect.gather [hbm4b:s2+s11], $0x80, s3, s11, $0xb8;
	[tilespmem:$0x13F00] =	vst v63  }
0x1d: {  	s30 =	simm.s32 $0x7700  }
0x1e: {  	[tilespmem:s30], [sflag:$0x2] =	stream.indirect.gather [hbm4b:s2+s11], $0x80, s10, s11, $0xb8;
	[tilespmem:$0x13F00] =	vst v63  }
.Ltmp2:
0x1f: {  	_ = 	snop;
	(pc) =	sbr.rel .LBB2_2-.Ltmp2, $4  }
0x20: {  	s31 =	simm.s32 $0x9F00  }
0x21: {  	[tilespmem:s31], [sflag:$0x3] =	stream.indirect.gather [hbm4b:s2+s11], $0x80, s11, s11, $0xb8;
	[tilespmem:$0x13F00] =	vst v63  }
0x22: {  	s26 =	simm.s32 $0x0  }
0x23: {  	[tilespmem:s16], [sflag:$0x4] =	stream.indirect.gather [hbm4b:s2+s11], $0x80, s15, s11, $0xb8;
	[tilespmem:$0x13F00] =	vst v63  }
.LBB2_8:
0x24: {  	s26 =	sadd.s32 $0x1, s26  }
0x25: {  	p0 =	sne.s32 s26, $0x3F  }
.Ltmp3:
0x26: {  	_ = 	snop;
	(pc) =	sbr.rel @!p0 .LBB2_9-.Ltmp3, $1  }
0x27: {  	_ =	sdelay $0x3  }
.LBB2_2:
0x28: {  	_ =	swait.ge [sflag:s17], $0x2800  }
0x29: {  	[sflag:s17] =	ssyncset.done $0x0  }
0x2a: {  	[sflag:s17] =	ssyncadd.s32 $0xFFFFD800  }
0x2b: {  	_ =	swait.ge [sflag:s18], $0x2800  }
0x2c: {  	p0 =	seq.s32 s26, $0x0;
	[sflag:s18] =	ssyncset.done $0x0  }
0x2d: {  	s0 =	simm.s32 @!p0 $0x5;
	[sflag:s18] =	ssyncadd.s32 $0xFFFFD800  }
0x2e: {  	_ =	swait.ge @!p0 [sflag:s0], $0x2800  }
0x2f: {  	[sflag:s0] =	ssyncset.done @!p0 $0x0  }
0x30: {  	s28 =	simm.s32 $0x4F80;
	[sflag:s0] =	ssyncadd.s32 @!p0 $0xFFFFD800  }
0x31: {  	s29 =	simm.s32 $0x7780;
	v0 =	vld [tilespmem:s28+$0xFFFFFF80]  }
0x32: {  	v1 =	vld [tilespmem:s29+$0xFFFFFF80];
	_ =	sdelay $0x4  }
0x33: {  	v0 =	vmul.f32 v1, v0  }
0x34: {  	s30 =	simm.s32 $0xEF80  }
0x35: {  	[tilespmem:s30+$0xFFFFFF80] =	vst v0  }
0x36: {  	v0 =	vld [tilespmem:s29+$0xFFFFFF90]  }
0x37: {  	v1 =	vld [tilespmem:s28+$0xFFFFFF90];
	_ =	sdelay $0x4  }
0x38: {  	v0 =	vmul.f32 v0, v1;
	_ =	sdelay $0x1  }
0x39: {  	[tilespmem:s30+$0xFFFFFF90] =	vst v0  }
0x3a: {  	v0 =	vld [tilespmem:s28+$0xFFFFFFA0]  }
0x3b: {  	v1 =	vld [tilespmem:s29+$0xFFFFFFA0];
	_ =	sdelay $0x4  }
0x3c: {  	v0 =	vmul.f32 v1, v0;
	_ =	sdelay $0x1  }
0x3d: {  	[tilespmem:s30+$0xFFFFFFA0] =	vst v0  }
0x3e: {  	v0 =	vld [tilespmem:s28+$0xFFFFFFB0]  }
0x3f: {  	v1 =	vld [tilespmem:s29+$0xFFFFFFB0];
	_ =	sdelay $0x4  }
0x40: {  	v0 =	vmul.f32 v1, v0;
	_ =	sdelay $0x1  }
0x41: {  	[tilespmem:s30+$0xFFFFFFB0] =	vst v0  }
0x42: {  	v0 =	vld [tilespmem:s28+$0xFFFFFFC0]  }
0x43: {  	v1 =	vld [tilespmem:s29+$0xFFFFFFC0];
	_ =	sdelay $0x4  }
0x44: {  	v0 =	vmul.f32 v1, v0;
	_ =	sdelay $0x1  }
0x45: {  	[tilespmem:s30+$0xFFFFFFC0] =	vst v0  }
0x46: {  	v0 =	vld [tilespmem:s28+$0xFFFFFFD0]  }
0x47: {  	v1 =	vld [tilespmem:s29+$0xFFFFFFD0];
	_ =	sdelay $0x4  }
0x48: {  	v0 =	vmul.f32 v1, v0;
	_ =	sdelay $0x1  }
0x49: {  	[tilespmem:s30+$0xFFFFFFD0] =	vst v0  }
0x4a: {  	v0 =	vld [tilespmem:s28+$0xFFFFFFE0]  }
0x4b: {  	v1 =	vld [tilespmem:s29+$0xFFFFFFE0];
	_ =	sdelay $0x4  }
0x4c: {  	v0 =	vmul.f32 v1, v0;
	_ =	sdelay $0x1  }
0x4d: {  	[tilespmem:s30+$0xFFFFFFE0] =	vst v0  }
0x4e: {  	v0 =	vld [tilespmem:s28+$0xFFFFFFF0]  }
0x4f: {  	v1 =	vld [tilespmem:s29+$0xFFFFFFF0];
	_ =	sdelay $0x4  }
0x50: {  	v0 =	vmul.f32 v1, v0;
	_ =	sdelay $0x1  }
0x51: {  	[tilespmem:s30+$0xFFFFFFF0] =	vst v0  }
0x52: {  	v0 =	vld [tilespmem:s28+$0x0]  }
0x53: {  	v1 =	vld [tilespmem:s29+$0x0];
	_ =	sdelay $0x4  }
0x54: {  	v0 =	vmul.f32 v1, v0;
	_ =	sdelay $0x1  }
0x55: {  	[tilespmem:s30+$0x0] =	vst v0  }
0x56: {  	v0 =	vld [tilespmem:s28+$0x10]  }
0x57: {  	v1 =	vld [tilespmem:s29+$0x10];
	_ =	sdelay $0x4  }
0x58: {  	v0 =	vmul.f32 v1, v0;
	_ =	sdelay $0x1  }
0x59: {  	[tilespmem:s30+$0x10] =	vst v0  }
0x5a: {  	v0 =	vld [tilespmem:s28+$0x20]  }
0x5b: {  	v1 =	vld [tilespmem:s29+$0x20];
	_ =	sdelay $0x4  }
0x5c: {  	v0 =	vmul.f32 v1, v0;
	_ =	sdelay $0x1  }
0x5d: {  	[tilespmem:s30+$0x20] =	vst v0  }
0x5e: {  	v0 =	vld [tilespmem:s28+$0x30]  }
0x5f: {  	v1 =	vld [tilespmem:s29+$0x30];
	_ =	sdelay $0x4  }
0x60: {  	v0 =	vmul.f32 v1, v0;
	_ =	sdelay $0x1  }
0x61: {  	[tilespmem:s30+$0x30] =	vst v0  }
0x62: {  	v0 =	vld [tilespmem:s28+$0x40]  }
0x63: {  	v1 =	vld [tilespmem:s29+$0x40];
	_ =	sdelay $0x4  }
0x64: {  	v0 =	vmul.f32 v1, v0;
	_ =	sdelay $0x1  }
0x65: {  	[tilespmem:s30+$0x40] =	vst v0  }
0x66: {  	v0 =	vld [tilespmem:s28+$0x50]  }
0x67: {  	v1 =	vld [tilespmem:s29+$0x50];
	_ =	sdelay $0x4  }
0x68: {  	v0 =	vmul.f32 v1, v0;
	_ =	sdelay $0x1  }
0x69: {  	[tilespmem:s30+$0x50] =	vst v0  }
0x6a: {  	s1 =	sshll.u32 s26, $0x1;
	s13 =	simm.s32 $0x5080;
	v0 =	vld [tilespmem:s28+$0x60]  }
0x6b: {  	s31 =	simm.s32 $0xEF80;
	s12 =	simm.s32 $0x7780;
	s0 =	simm.s32 $0x0;
	v1 =	vld [tilespmem:s29+$0x60]  }
.LBB2_3:
0x6c: {  	s0 =	sadd.s32 $0x2, s0;
	s30 =	sadd.s32 $0x100, s30;
	s29 =	sadd.s32 $0x100, s29  }
0x6d: {  	p1 =	slt.u32 s0, $0x4E;
	_ =	sdelay $0x2  }
0x6e: {  	v0 =	vmul.f32 v1, v0;
	_ =	sdelay $0x1  }
0x6f: {  	[tilespmem:s31+$0x60] =	vst v0  }
0x70: {  	v0 =	vld [tilespmem:s28+$0x70];
	s28 =	smov.u32 s13  }
0x71: {  	v1 =	vld [tilespmem:s12+$0x70];
	s12 =	smov.u32 s29;
	_ =	sdelay $0x4  }
0x72: {  	v0 =	vmul.f32 v1, v0;
	_ =	sdelay $0x1  }
0x73: {  	[tilespmem:s31+$0x70] =	vst v0;
	s31 =	smov.u32 s30  }
0x74: {  	v0 =	vld [tilespmem:s13+$0xFFFFFF80]  }
0x75: {  	v1 =	vld [tilespmem:s29+$0xFFFFFF80];
	_ =	sdelay $0x4  }
0x76: {  	v0 =	vmul.f32 v1, v0;
	_ =	sdelay $0x1  }
0x77: {  	[tilespmem:s30+$0xFFFFFF80] =	vst v0  }
0x78: {  	v0 =	vld [tilespmem:s29+$0xFFFFFF90]  }
0x79: {  	v1 =	vld [tilespmem:s13+$0xFFFFFF90];
	_ =	sdelay $0x4  }
0x7a: {  	v0 =	vmul.f32 v0, v1;
	_ =	sdelay $0x1  }
0x7b: {  	[tilespmem:s30+$0xFFFFFF90] =	vst v0  }
0x7c: {  	v0 =	vld [tilespmem:s13+$0xFFFFFFA0]  }
0x7d: {  	v1 =	vld [tilespmem:s29+$0xFFFFFFA0];
	_ =	sdelay $0x4  }
0x7e: {  	v0 =	vmul.f32 v1, v0;
	_ =	sdelay $0x1  }
0x7f: {  	[tilespmem:s30+$0xFFFFFFA0] =	vst v0  }
0x80: {  	v0 =	vld [tilespmem:s13+$0xFFFFFFB0]  }
0x81: {  	v1 =	vld [tilespmem:s29+$0xFFFFFFB0];
	_ =	sdelay $0x4  }
0x82: {  	v0 =	vmul.f32 v1, v0;
	_ =	sdelay $0x1  }
0x83: {  	[tilespmem:s30+$0xFFFFFFB0] =	vst v0  }
0x84: {  	v0 =	vld [tilespmem:s13+$0xFFFFFFC0]  }
0x85: {  	v1 =	vld [tilespmem:s29+$0xFFFFFFC0];
	_ =	sdelay $0x4  }
0x86: {  	v0 =	vmul.f32 v1, v0;
	_ =	sdelay $0x1  }
0x87: {  	[tilespmem:s30+$0xFFFFFFC0] =	vst v0  }
0x88: {  	v0 =	vld [tilespmem:s13+$0xFFFFFFD0]  }
0x89: {  	v1 =	vld [tilespmem:s29+$0xFFFFFFD0];
	_ =	sdelay $0x4  }
0x8a: {  	v0 =	vmul.f32 v1, v0;
	_ =	sdelay $0x1  }
0x8b: {  	[tilespmem:s30+$0xFFFFFFD0] =	vst v0  }
0x8c: {  	v0 =	vld [tilespmem:s13+$0xFFFFFFE0]  }
0x8d: {  	v1 =	vld [tilespmem:s29+$0xFFFFFFE0];
	_ =	sdelay $0x4  }
0x8e: {  	v0 =	vmul.f32 v1, v0;
	_ =	sdelay $0x1  }
0x8f: {  	[tilespmem:s30+$0xFFFFFFE0] =	vst v0  }
0x90: {  	v0 =	vld [tilespmem:s13+$0xFFFFFFF0]  }
0x91: {  	v1 =	vld [tilespmem:s29+$0xFFFFFFF0];
	_ =	sdelay $0x4  }
0x92: {  	v0 =	vmul.f32 v1, v0;
	_ =	sdelay $0x1  }
0x93: {  	[tilespmem:s30+$0xFFFFFFF0] =	vst v0  }
0x94: {  	v0 =	vld [tilespmem:s13+$0x0]  }
0x95: {  	v1 =	vld [tilespmem:s29+$0x0];
	_ =	sdelay $0x4  }
0x96: {  	v0 =	vmul.f32 v1, v0;
	_ =	sdelay $0x1  }
0x97: {  	[tilespmem:s30+$0x0] =	vst v0  }
0x98: {  	v0 =	vld [tilespmem:s13+$0x10]  }
0x99: {  	v1 =	vld [tilespmem:s29+$0x10];
	_ =	sdelay $0x4  }
0x9a: {  	v0 =	vmul.f32 v1, v0;
	_ =	sdelay $0x1  }
0x9b: {  	[tilespmem:s30+$0x10] =	vst v0  }
0x9c: {  	v0 =	vld [tilespmem:s13+$0x20]  }
0x9d: {  	v1 =	vld [tilespmem:s29+$0x20];
	_ =	sdelay $0x4  }
0x9e: {  	v0 =	vmul.f32 v1, v0;
	_ =	sdelay $0x1  }
0x9f: {  	[tilespmem:s30+$0x20] =	vst v0  }
0xa0: {  	v0 =	vld [tilespmem:s13+$0x30]  }
0xa1: {  	v1 =	vld [tilespmem:s29+$0x30];
	_ =	sdelay $0x4  }
0xa2: {  	v0 =	vmul.f32 v1, v0;
	_ =	sdelay $0x1  }
0xa3: {  	[tilespmem:s30+$0x30] =	vst v0  }
0xa4: {  	v0 =	vld [tilespmem:s13+$0x40]  }
0xa5: {  	v1 =	vld [tilespmem:s29+$0x40];
	_ =	sdelay $0x4  }
0xa6: {  	v0 =	vmul.f32 v1, v0;
	_ =	sdelay $0x1  }
0xa7: {  	[tilespmem:s30+$0x40] =	vst v0  }
0xa8: {  	v0 =	vld [tilespmem:s13+$0x50]  }
0xa9: {  	v1 =	vld [tilespmem:s29+$0x50];
	_ =	sdelay $0x4  }
.Ltmp4:
0xaa: {  	v0 =	vmul.f32 v1, v0;
	(pc) =	sbr.rel @p1 .LBB2_3-.Ltmp4, $4  }
0xab: {  	_ = 	snop  }
0xac: {  	[tilespmem:s30+$0x50] =	vst v0  }
0xad: {  	v0 =	vld [tilespmem:s13+$0x60]  }
0xae: {  	s13 =	sadd.s32 $0x100, s13;
	v1 =	vld [tilespmem:s29+$0x60]  }
0xaf: {  	_ =	sdelay $0x3  }
0xb0: {  	v0 =	vmul.f32 v1, v0;
	_ =	sdelay $0x1  }
0xb1: {  	[tilespmem:s31+$0x60] =	vst v0  }
0xb2: {  	v0 =	vld [tilespmem:s28+$0x70]  }
0xb3: {  	v63 =	vld [tilespmem:s12+$0x70];
	_ =	sdelay $0x3  }
0xb4: {  	p1 =	seq.s32 s26, $0x3E  }
0xb5: {  	s28 =	smul.u32 @!p1 $0xA0, s26;
	v0 =	vmul.f32 v63, v0;
	_ =	sdelay $0x1  }
0xb6: {  	s13 =	simm.s32 @!p1 $0x4F00;
	s12 =	simm.s32 @!p1 $0x50;
	s0 =	sadd.s32 @!p1 $0xA0, s28;
	[tilespmem:s31+$0x70] =	vst v0  }
0xb7: {  	[tilespmem:s13], [sflag:$0x1] =	stream.indirect.gather @!p1 [hbm4b:s2+s12], $0x80, s0, s12, $0xb8;
	[tilespmem:$0x13F00] =	vst v63  }
0xb8: {  	s29 =	sor.u32 $0x1, s1;
	s0 =	sadd.s32 @!p1 $0x2820, s28;
	s13 =	simm.s32 @!p1 $0x7700  }
0xb9: {  	[tilespmem:s13], [sflag:$0x2] =	stream.indirect.gather @!p1 [hbm4b:s2+s12], $0x80, s0, s12, $0xb8;
	[tilespmem:$0x13F00] =	vst v63  }
0xba: {  	s28 =	simm.s32 @p1 $0x26C0;
	p1 =	sgt.u32 s29, $0x7C  }
.Ltmp5:
0xbb: {  	_ = 	snop;
	(pc) =	sbr.rel @p1 .LBB2_8-.Ltmp5, $4  }
0xbc: {  	s31 =	sadd.s32 s4, s28  }
0xbd: {  	s0 =	sshll.u32 s31, $0x4  }
0xbe: {  	s0 =	sadd.s32 s5, s0  }
0xbf: {  	[hbm4b:s0+s3] =	stream.linear.scatter [tilespmem:s19], [sflag:$0x5], $0x2800, $0x38;
	[tilespmem:$0x13F00] =	vst v63  }
0xc0: {  	_ =	swait.ge [sflag:s20], $0x2800  }
0xc1: {  	[sflag:s20] =	ssyncset.done $0x0  }
0xc2: {  	[sflag:s20] =	ssyncadd.s32 $0xFFFFD800  }
0xc3: {  	_ =	swait.ge [sflag:s21], $0x2800  }
0xc4: {  	[sflag:s21] =	ssyncset.done $0x0  }
0xc5: {  	s0 =	simm.s32 @!p0 $0x6;
	[sflag:s21] =	ssyncadd.s32 $0xFFFFD800  }
0xc6: {  	_ =	swait.ge @!p0 [sflag:s0], $0x2800  }
0xc7: {  	[sflag:s0] =	ssyncset.done @!p0 $0x0  }
0xc8: {  	s30 =	simm.s32 $0x9F80;
	[sflag:s0] =	ssyncadd.s32 @!p0 $0xFFFFD800  }
0xc9: {  	s31 =	simm.s32 $0xC780;
	v0 =	vld [tilespmem:s30+$0xFFFFFF80]  }
0xca: {  	v1 =	vld [tilespmem:s31+$0xFFFFFF80];
	_ =	sdelay $0x4  }
0xcb: {  	v0 =	vmul.f32 v1, v0  }
0xcc: {  	s1 =	simm.s32 $0x11780  }
0xcd: {  	[tilespmem:s1+$0xFFFFFF80] =	vst v0  }
0xce: {  	v0 =	vld [tilespmem:s31+$0xFFFFFF90]  }
0xcf: {  	v1 =	vld [tilespmem:s30+$0xFFFFFF90];
	_ =	sdelay $0x4  }
0xd0: {  	v0 =	vmul.f32 v0, v1;
	_ =	sdelay $0x1  }
0xd1: {  	[tilespmem:s1+$0xFFFFFF90] =	vst v0  }
0xd2: {  	v0 =	vld [tilespmem:s30+$0xFFFFFFA0]  }
0xd3: {  	v1 =	vld [tilespmem:s31+$0xFFFFFFA0];
	_ =	sdelay $0x4  }
0xd4: {  	v0 =	vmul.f32 v1, v0;
	_ =	sdelay $0x1  }
0xd5: {  	[tilespmem:s1+$0xFFFFFFA0] =	vst v0  }
0xd6: {  	v0 =	vld [tilespmem:s30+$0xFFFFFFB0]  }
0xd7: {  	v1 =	vld [tilespmem:s31+$0xFFFFFFB0];
	_ =	sdelay $0x4  }
0xd8: {  	v0 =	vmul.f32 v1, v0;
	_ =	sdelay $0x1  }
0xd9: {  	[tilespmem:s1+$0xFFFFFFB0] =	vst v0  }
0xda: {  	v0 =	vld [tilespmem:s30+$0xFFFFFFC0]  }
0xdb: {  	v1 =	vld [tilespmem:s31+$0xFFFFFFC0];
	_ =	sdelay $0x4  }
0xdc: {  	v0 =	vmul.f32 v1, v0;
	_ =	sdelay $0x1  }
0xdd: {  	[tilespmem:s1+$0xFFFFFFC0] =	vst v0  }
0xde: {  	v0 =	vld [tilespmem:s30+$0xFFFFFFD0]  }
0xdf: {  	v1 =	vld [tilespmem:s31+$0xFFFFFFD0];
	_ =	sdelay $0x4  }
0xe0: {  	v0 =	vmul.f32 v1, v0;
	_ =	sdelay $0x1  }
0xe1: {  	[tilespmem:s1+$0xFFFFFFD0] =	vst v0  }
0xe2: {  	v0 =	vld [tilespmem:s30+$0xFFFFFFE0]  }
0xe3: {  	v1 =	vld [tilespmem:s31+$0xFFFFFFE0];
	_ =	sdelay $0x4  }
0xe4: {  	v0 =	vmul.f32 v1, v0;
	_ =	sdelay $0x1  }
0xe5: {  	[tilespmem:s1+$0xFFFFFFE0] =	vst v0  }
0xe6: {  	v0 =	vld [tilespmem:s30+$0xFFFFFFF0]  }
0xe7: {  	v1 =	vld [tilespmem:s31+$0xFFFFFFF0];
	_ =	sdelay $0x4  }
0xe8: {  	v0 =	vmul.f32 v1, v0;
	_ =	sdelay $0x1  }
0xe9: {  	[tilespmem:s1+$0xFFFFFFF0] =	vst v0  }
0xea: {  	v0 =	vld [tilespmem:s30+$0x0]  }
0xeb: {  	v1 =	vld [tilespmem:s31+$0x0];
	_ =	sdelay $0x4  }
0xec: {  	v0 =	vmul.f32 v1, v0;
	_ =	sdelay $0x1  }
0xed: {  	[tilespmem:s1+$0x0] =	vst v0  }
0xee: {  	v0 =	vld [tilespmem:s30+$0x10]  }
0xef: {  	v1 =	vld [tilespmem:s31+$0x10];
	_ =	sdelay $0x4  }
0xf0: {  	v0 =	vmul.f32 v1, v0;
	_ =	sdelay $0x1  }
0xf1: {  	[tilespmem:s1+$0x10] =	vst v0  }
0xf2: {  	v0 =	vld [tilespmem:s30+$0x20]  }
0xf3: {  	v1 =	vld [tilespmem:s31+$0x20];
	_ =	sdelay $0x4  }
0xf4: {  	v0 =	vmul.f32 v1, v0;
	_ =	sdelay $0x1  }
0xf5: {  	[tilespmem:s1+$0x20] =	vst v0  }
0xf6: {  	v0 =	vld [tilespmem:s30+$0x30]  }
0xf7: {  	v1 =	vld [tilespmem:s31+$0x30];
	_ =	sdelay $0x4  }
0xf8: {  	v0 =	vmul.f32 v1, v0;
	_ =	sdelay $0x1  }
0xf9: {  	[tilespmem:s1+$0x30] =	vst v0  }
0xfa: {  	v0 =	vld [tilespmem:s30+$0x40]  }
0xfb: {  	v1 =	vld [tilespmem:s31+$0x40];
	_ =	sdelay $0x4  }
0xfc: {  	v0 =	vmul.f32 v1, v0;
	_ =	sdelay $0x1  }
0xfd: {  	[tilespmem:s1+$0x40] =	vst v0  }
0xfe: {  	v0 =	vld [tilespmem:s30+$0x50]  }
0xff: {  	v1 =	vld [tilespmem:s31+$0x50];
	_ =	sdelay $0x4  }
0x100: {  	v0 =	vmul.f32 v1, v0;
	_ =	sdelay $0x1  }
0x101: {  	[tilespmem:s1+$0x50] =	vst v0  }
0x102: {  	s12 =	simm.s32 $0x0;
	v0 =	vld [tilespmem:s30+$0x60]  }
0x103: {  	s14 =	simm.s32 $0xA080;
	s13 =	simm.s32 $0xC780;
	s0 =	simm.s32 $0x11780;
	v1 =	vld [tilespmem:s31+$0x60]  }
.LBB2_6:
0x104: {  	s12 =	sadd.s32 $0x2, s12;
	s1 =	sadd.s32 $0x100, s1;
	s31 =	sadd.s32 $0x100, s31  }
0x105: {  	p0 =	slt.u32 s12, $0x4E;
	_ =	sdelay $0x2  }
0x106: {  	v0 =	vmul.f32 v1, v0;
	_ =	sdelay $0x1  }
0x107: {  	[tilespmem:s0+$0x60] =	vst v0  }
0x108: {  	v0 =	vld [tilespmem:s30+$0x70];
	s30 =	smov.u32 s14  }
0x109: {  	v1 =	vld [tilespmem:s13+$0x70];
	s13 =	smov.u32 s31;
	_ =	sdelay $0x4  }
0x10a: {  	v0 =	vmul.f32 v1, v0;
	_ =	sdelay $0x1  }
0x10b: {  	[tilespmem:s0+$0x70] =	vst v0;
	s0 =	smov.u32 s1  }
0x10c: {  	v0 =	vld [tilespmem:s14+$0xFFFFFF80]  }
0x10d: {  	v1 =	vld [tilespmem:s31+$0xFFFFFF80];
	_ =	sdelay $0x4  }
0x10e: {  	v0 =	vmul.f32 v1, v0;
	_ =	sdelay $0x1  }
0x10f: {  	[tilespmem:s1+$0xFFFFFF80] =	vst v0  }
0x110: {  	v0 =	vld [tilespmem:s31+$0xFFFFFF90]  }
0x111: {  	v1 =	vld [tilespmem:s14+$0xFFFFFF90];
	_ =	sdelay $0x4  }
0x112: {  	v0 =	vmul.f32 v0, v1;
	_ =	sdelay $0x1  }
0x113: {  	[tilespmem:s1+$0xFFFFFF90] =	vst v0  }
0x114: {  	v0 =	vld [tilespmem:s14+$0xFFFFFFA0]  }
0x115: {  	v1 =	vld [tilespmem:s31+$0xFFFFFFA0];
	_ =	sdelay $0x4  }
0x116: {  	v0 =	vmul.f32 v1, v0;
	_ =	sdelay $0x1  }
0x117: {  	[tilespmem:s1+$0xFFFFFFA0] =	vst v0  }
0x118: {  	v0 =	vld [tilespmem:s14+$0xFFFFFFB0]  }
0x119: {  	v1 =	vld [tilespmem:s31+$0xFFFFFFB0];
	_ =	sdelay $0x4  }
0x11a: {  	v0 =	vmul.f32 v1, v0;
	_ =	sdelay $0x1  }
0x11b: {  	[tilespmem:s1+$0xFFFFFFB0] =	vst v0  }
0x11c: {  	v0 =	vld [tilespmem:s14+$0xFFFFFFC0]  }
0x11d: {  	v1 =	vld [tilespmem:s31+$0xFFFFFFC0];
	_ =	sdelay $0x4  }
0x11e: {  	v0 =	vmul.f32 v1, v0;
	_ =	sdelay $0x1  }
0x11f: {  	[tilespmem:s1+$0xFFFFFFC0] =	vst v0  }
0x120: {  	v0 =	vld [tilespmem:s14+$0xFFFFFFD0]  }
0x121: {  	v1 =	vld [tilespmem:s31+$0xFFFFFFD0];
	_ =	sdelay $0x4  }
0x122: {  	v0 =	vmul.f32 v1, v0;
	_ =	sdelay $0x1  }
0x123: {  	[tilespmem:s1+$0xFFFFFFD0] =	vst v0  }
0x124: {  	v0 =	vld [tilespmem:s14+$0xFFFFFFE0]  }
0x125: {  	v1 =	vld [tilespmem:s31+$0xFFFFFFE0];
	_ =	sdelay $0x4  }
0x126: {  	v0 =	vmul.f32 v1, v0;
	_ =	sdelay $0x1  }
0x127: {  	[tilespmem:s1+$0xFFFFFFE0] =	vst v0  }
0x128: {  	v0 =	vld [tilespmem:s14+$0xFFFFFFF0]  }
0x129: {  	v1 =	vld [tilespmem:s31+$0xFFFFFFF0];
	_ =	sdelay $0x4  }
0x12a: {  	v0 =	vmul.f32 v1, v0;
	_ =	sdelay $0x1  }
0x12b: {  	[tilespmem:s1+$0xFFFFFFF0] =	vst v0  }
0x12c: {  	v0 =	vld [tilespmem:s14+$0x0]  }
0x12d: {  	v1 =	vld [tilespmem:s31+$0x0];
	_ =	sdelay $0x4  }
0x12e: {  	v0 =	vmul.f32 v1, v0;
	_ =	sdelay $0x1  }
0x12f: {  	[tilespmem:s1+$0x0] =	vst v0  }
0x130: {  	v0 =	vld [tilespmem:s14+$0x10]  }
0x131: {  	v1 =	vld [tilespmem:s31+$0x10];
	_ =	sdelay $0x4  }
0x132: {  	v0 =	vmul.f32 v1, v0;
	_ =	sdelay $0x1  }
0x133: {  	[tilespmem:s1+$0x10] =	vst v0  }
0x134: {  	v0 =	vld [tilespmem:s14+$0x20]  }
0x135: {  	v1 =	vld [tilespmem:s31+$0x20];
	_ =	sdelay $0x4  }
0x136: {  	v0 =	vmul.f32 v1, v0;
	_ =	sdelay $0x1  }
0x137: {  	[tilespmem:s1+$0x20] =	vst v0  }
0x138: {  	v0 =	vld [tilespmem:s14+$0x30]  }
0x139: {  	v1 =	vld [tilespmem:s31+$0x30];
	_ =	sdelay $0x4  }
0x13a: {  	v0 =	vmul.f32 v1, v0;
	_ =	sdelay $0x1  }
0x13b: {  	[tilespmem:s1+$0x30] =	vst v0  }
0x13c: {  	v0 =	vld [tilespmem:s14+$0x40]  }
0x13d: {  	v1 =	vld [tilespmem:s31+$0x40];
	_ =	sdelay $0x4  }
0x13e: {  	v0 =	vmul.f32 v1, v0;
	_ =	sdelay $0x1  }
0x13f: {  	[tilespmem:s1+$0x40] =	vst v0  }
0x140: {  	v0 =	vld [tilespmem:s14+$0x50]  }
0x141: {  	v1 =	vld [tilespmem:s31+$0x50];
	_ =	sdelay $0x4  }
.Ltmp6:
0x142: {  	v0 =	vmul.f32 v1, v0;
	(pc) =	sbr.rel @p0 .LBB2_6-.Ltmp6, $4  }
0x143: {  	_ = 	snop  }
0x144: {  	[tilespmem:s1+$0x50] =	vst v0  }
0x145: {  	v0 =	vld [tilespmem:s14+$0x60]  }
0x146: {  	s14 =	sadd.s32 $0x100, s14;
	v1 =	vld [tilespmem:s31+$0x60]  }
0x147: {  	_ =	sdelay $0x3  }
0x148: {  	v0 =	vmul.f32 v1, v0;
	_ =	sdelay $0x1  }
0x149: {  	[tilespmem:s0+$0x60] =	vst v0  }
0x14a: {  	v0 =	vld [tilespmem:s30+$0x70]  }
0x14b: {  	v63 =	vld [tilespmem:s13+$0x70];
	_ =	sdelay $0x4  }
0x14c: {  	p0 =	sgt.u32 s26, $0x3C;
	s30 =	smul.u32 $0x50, s29;
	v0 =	vmul.f32 v63, v0  }
0x14d: {  	s1 =	simm.s32 @!p0 $0x50  }
0x14e: {  	s12 =	simm.s32 @!p0 $0x9F00;
	s31 =	sadd.s32 s4, s30;
	[tilespmem:s0+$0x70] =	vst v0;
	s0 =	sadd.s32 @!p0 $0xF0, s28  }
0x14f: {  	[tilespmem:s12], [sflag:$0x3] =	stream.indirect.gather @!p0 [hbm4b:s2+s1], $0x80, s0, s1, $0xb8;
	[tilespmem:$0x13F00] =	vst v63  }
.Ltmp7:
0x150: {  	s0 =	sadd.s32 @!p0 $0x2870, s28;
	s12 =	simm.s32 @!p0 $0xC700;
	(pc) =	sbr.rel .LBB2_8-.Ltmp7, $4  }
0x151: {  	[tilespmem:s12], [sflag:$0x4] =	stream.indirect.gather @!p0 [hbm4b:s2+s1], $0x80, s0, s1, $0xb8;
	[tilespmem:$0x13F00] =	vst v63  }
0x152: {  	s0 =	sshll.u32 s31, $0x4  }
0x153: {  	s0 =	sadd.s32 s5, s0  }
0x154: {  	[hbm4b:s0+s3] =	stream.linear.scatter [tilespmem:s22], [sflag:$0x6], $0x2800, $0x38;
	[tilespmem:$0x13F00] =	vst v63  }
.LBB2_10:
0x155: {  	_ =	sfence.sel $0x180000  }
0x156: {  	[bflag:$0x0] =	sbarrier.arrive $0xFFFF  }
0x157: {  	_ =	strace $0x90000047  }
0x158: {  	s0 =	stileid.u32;
	[bflag:$0x2] =	sbarrier.arrive $0xFFFF  }
0x159: {  	p0 =	sne.s32 s0, $0x0;
	s0 =	rddreg [dreg:$0x2]  }
0x15a: {  	s0 =	sadd.s32 @!p0 $0x100000, s0  }
0x15b: {  	[sflag:s0] =	ssyncadd.tile.s32 @!p0 $0x1;
	_ =	shalt  }
.Lfunc_end2:
_tile_overlayer_lowered:
.L_overlay_start_2:
0x15c: {  	(tag) =	ssettag $0x2  }
0x15d: {  	s0 =	rddreg [dreg:$0x0];
	s2 =	stileid.u32  }
0x15e: {  	s1 =	rddreg [dreg:$0x1];
	p0 =	sne.s32 s2, $0x0  }
0x15f: {  	s3 =	rddreg [dreg:$0x2];
	[bflag:$0x3] =	sbarrier.arrive $0xFFFF;
	s2 =	simm.s32 @!p0 $0x1C07  }
0x160: {  	[timem:s3], [sflag:s2] =	dma.local @!p0 [hbm:s0], s1  }
0x161: {  	s0 =	simm.s32 @!p0 $0x7  }
0x162: {  	_ =	swait.ge @!p0 [sflag:s0], s1  }
0x163: {  	s1 =	ssub.s32 @!p0 $0x0, s1;
	[sflag:s0] =	ssyncset.done @!p0 $0x0  }
0x164: {  	[sflag:s0] =	ssyncadd.s32 @!p0 s1  }
0x165: {  	[bflag:$0x3] =	sbarrier.arrive $0xFFFF  }
0x166: {  	_ =	shalt  }

</sc_bundles>
